<compile_context>
chip_gen: v7x
topology: tpu7x:2x2x1
jax: 0.10.2.dev20260603
libtpu: 0.0.44.dev20260713+nightly
codegen_flags: <defaults>
</compile_context>

<pallas_src>
import functools

import jax
import jax.numpy as jnp
from jax import lax
from jax.experimental import pallas as pl
from jax.experimental.pallas import tpu as pltpu
from jax.experimental.pallas import tpu_sc as plsc

NC = 2
NS = 16
NW = NC * NS

G = 512
NG = 2
IC = G * NG
K = 2

BN = 8192
BB = 128


def _tc_transpose(wt, v: int, d: int):
    def body(i_ref, o_ref):
        t = i_ref[...].T.reshape(BN // 8, 8, d)
        o_ref[...] = jnp.concatenate([t[:, k, :] for k in range(8)], axis=1)

    return pl.pallas_call(
        body,
        grid=((v + BN - 1) // BN,),
        in_specs=[pl.BlockSpec((d, BN), lambda i: (0, i))],
        out_specs=pl.BlockSpec((BN // 8, 8 * d), lambda i: (i, 0)),
        out_shape=jax.ShapeDtypeStruct((v * d // 128, 128), jnp.float32),
    )(wt)


def _tc_outperm(i2, b_tot: int, b_half: int, t_tot: int, d: int,
                col_off: int, prev=None):
    td = t_tot * d
    rows = td // 128

    def body(*refs):
        i_ref, o_ref = refs[0], refs[-1]
        blk = i_ref[...]
        m = blk.reshape(BB, rows, 128).reshape(BB, td)
        o_ref[...] = m.T

    in_specs = [pl.BlockSpec((rows * BB, 128), lambda i: (i, 0))]
    operands = [i2]
    aliases = {}
    if prev is not None:
        in_specs.append(pl.BlockSpec(memory_space=pl.ANY))
        operands.append(prev)
        aliases = {1: 0}
    return pl.pallas_call(
        body,
        grid=(b_half // BB,),
        in_specs=in_specs,
        out_specs=pl.BlockSpec((td, BB), lambda i: (0, i + col_off)),
        out_shape=jax.ShapeDtypeStruct((td, b_tot), jnp.float32),
        input_output_aliases=aliases,
    )(*operands)


def _make_kernel(n_total: int, d: int, n_lo: int, n_count: int):
    n_per_w = n_count // NW
    n_iters = n_per_w // IC
    n_rounds = n_iters // K
    row_lo = n_lo // G
    rows_per_w = n_per_w // G

    mesh = plsc.VectorSubcoreMesh(core_axis_name="c", subcore_axis_name="s")

    @functools.partial(
        pl.kernel,
        mesh=mesh,
        compiler_params=pltpu.CompilerParams(use_tc_tiling_on_sc=False),
        out_type=jax.ShapeDtypeStruct((n_count, d), jnp.float32),
        scratch_types=[
            pltpu.VMEM((K, NG, G), jnp.int32),
            pltpu.VMEM((K, IC, d), jnp.float32),
        ]
        + [pltpu.SemaphoreType.DMA] * (3 * K),
    )
    def k(x_hbm, w_hbm, out_hbm, idx_v, rows_v, *sems):
        sem_g = sems[0:K]
        sem_s = sems[K:2 * K]
        sem_i = sems[2 * K:3 * K]
        wid = lax.axis_index("s") * NC + lax.axis_index("c")
        row_base = row_lo + wid * rows_per_w
        out_base = wid * n_per_w

        def idx_src(i):
            row = row_base + jnp.minimum(i, n_iters - 1) * NG
            return x_hbm.at[pl.ds(row, NG), :]

        def fire_gathers(b, i):
            for j in range(NG):
                pltpu.async_copy(
                    w_hbm.at[idx_v.at[b, j]],
                    rows_v.at[b, pl.ds(j * G, G), :],
                    sem_g[b],
                )

        def fire_store(b, i):
            pltpu.async_copy(
                rows_v.at[b],
                out_hbm.at[pl.ds(out_base + i * IC, IC), :],
                sem_s[b],
            )

        def drain_gathers(b):
            pltpu.make_async_copy(
                out_hbm.at[pl.ds(0, IC), :], rows_v.at[b], sem_g[b]
            ).wait()

        def drain_store(b):
            pltpu.make_async_copy(
                rows_v.at[b], out_hbm.at[pl.ds(0, IC), :], sem_s[b]
            ).wait()

        def drain_idx(b):
            pltpu.make_async_copy(
                x_hbm.at[pl.ds(0, NG), :], idx_v.at[b], sem_i[b]
            ).wait()

        for b in range(K):
            pltpu.async_copy(idx_src(b), idx_v.at[b], sem_i[b])
        for b in range(K):
            drain_idx(b)
            fire_gathers(b, b)
        for b in range(K):
            drain_gathers(b)
            fire_store(b, b)
            pltpu.async_copy(idx_src(b + K), idx_v.at[b], sem_i[b])

        def body(r, carry):
            i0 = K * r
            for b in range(K):
                drain_store(b)
                drain_idx(b)
                fire_gathers(b, i0 + b)
            for b in range(K):
                drain_gathers(b)
                fire_store(b, i0 + b)
                pltpu.async_copy(idx_src(i0 + b + K), idx_v.at[b], sem_i[b])
            return carry

        lax.fori_loop(1, n_rounds, body, 0)

        for b in range(K):
            drain_store(b)
            drain_idx(b)

    return k


def kernel(x, W):
    b, t = x.shape
    n_total = b * t
    v, d = W.shape
    n_half = n_total // 2
    b_half = b // 2
    xf = x.reshape(n_total // G, G)
    wrm = _tc_transpose(W.T, v, d).reshape(v, d)
    o1 = _make_kernel(n_total, d, 0, n_half)(xf, wrm)
    o2 = _make_kernel(n_total, d, n_half, n_half)(xf, wrm)
    ota = _tc_outperm(o1.reshape(n_half * d // 128, 128),
                      b, b_half, t, d, 0)
    ot = _tc_outperm(o2.reshape(n_half * d // 128, 128),
                     b, b_half, t, d, b_half // BB, prev=ota)
    return ot.reshape(t, d, b).transpose(2, 0, 1)

# --- scband reference (transcript-rebuilt; emitter-appended) ---
"""Pipeline reference for scband-embedding-12524124635875 (READ-ONLY COPY).

The authoritative reference and input builder live on the scoring server;
editing this copy changes nothing except your own understanding.
"""

import jax, jax.numpy as jnp
import numpy as np

INPUT_DIM = 1000000
EMBED_DIM = 16
B = 16384
T = 200

def setup_inputs(seed: int = 0) -> dict:
    key = jax.random.key(seed)
    k_x, k_w = jax.random.split(key)
    x = jax.random.randint(k_x, (B, T), 0, INPUT_DIM, dtype=jnp.int32)
    # He initialization: std = sqrt(2 / M), no bias
    W = jax.random.normal(k_w, (INPUT_DIM, EMBED_DIM), dtype=jnp.float32) * jnp.sqrt(2.0 / INPUT_DIM)
    return {"x": x, "W": W}

def reference(x, W):
    # Embedding lookup: net_in = weights gathered at indices. shape (B, T, H)
    net_in = jnp.take(W, x, axis=0)
    return net_in

if __name__ == "__main__":
    import jax
    _d = setup_inputs()
    print(jax.jit(kernel)(*tuple(_d.values())))

</pallas_src>

<mosaic_0001>
#map = affine_map<(d0, d1) -> (0, 0)>
module attributes {stable_mosaic.version = 14 : i64} {
  func.func @k(%arg0: i32, %arg1: i32, %arg2: memref<6400x512xi32, #tpu.memory_space<hbm>>, %arg3: memref<1000000x16xf32, #tpu.memory_space<hbm>>, %arg4: memref<1638400x16xf32, #tpu.memory_space<hbm>>, %arg5: memref<2x2x512xi32, #tpu.memory_space<vmem>>, %arg6: memref<2x1024x16xf32, #tpu.memory_space<vmem>>, %arg7: memref<!tpu.dma_semaphore, #tpu.memory_space<semaphore_mem>>, %arg8: memref<!tpu.dma_semaphore, #tpu.memory_space<semaphore_mem>>, %arg9: memref<!tpu.dma_semaphore, #tpu.memory_space<semaphore_mem>>, %arg10: memref<!tpu.dma_semaphore, #tpu.memory_space<semaphore_mem>>, %arg11: memref<!tpu.dma_semaphore, #tpu.memory_space<semaphore_mem>>, %arg12: memref<!tpu.dma_semaphore, #tpu.memory_space<semaphore_mem>>) attributes {dimension_semantics = [#tpu.dimension_semantics<core_parallel>, #tpu.dimension_semantics<subcore_parallel>], iteration_bounds = array<i64: 2, 16>, scalar_prefetch = 0 : i64, scratch_operands = 8 : i64, tpu.core_type = #tpu.core_type<sc_vector_subcore>, window_params = [{transform_indices = #map}, {transform_indices = #map}, {transform_indices = #map}]} {
    %mul3A = arith.constant 2 : i32
    %mul3A_0 = arith.muli %arg1, %mul3A : i32
    %add3A = arith.addi %mul3A_0, %arg0 : i32
    %mul3A_1 = arith.constant 100 : i32
    %mul3A_2 = arith.muli %add3A, %mul3A_1 : i32
    %add3A_3 = arith.constant 3200 : i32
    %add3A_4 = arith.addi %add3A_3, %mul3A_2 : i32
    %mul3A_5 = arith.constant 51200 : i32
    %mul3A_6 = arith.muli %add3A, %mul3A_5 : i32
    %min3A = arith.constant 0 : i32
    %min3A_7 = arith.constant 49 : i32
    %min3A_8 = arith.minsi %min3A, %min3A_7 : i32
    %mul3A_9 = arith.constant 2 : i32
    %mul3A_10 = arith.muli %min3A_8, %mul3A_9 : i32
    %add3A_11 = arith.addi %add3A_4, %mul3A_10 : i32
    %dma_start3A = arith.constant 0 : i32
    %dma_start3A_12 = arith.constant 0 : i32
    %dma_start3A_13 = arith.constant 0 : i32
    %dma_start3A_14 = tpu.memref_slice %arg5[%dma_start3A, %dma_start3A_12, %dma_start3A_13] : memref<2x2x512xi32, #tpu.memory_space<vmem>> -> memref<1x2x512xi32, #tpu.memory_space<vmem>>
    %dma_start3A_15 = tpu.memref_squeeze %dma_start3A_14 : memref<1x2x512xi32, #tpu.memory_space<vmem>> -> memref<2x512xi32, #tpu.memory_space<vmem>>
    %dma_start3A_16 = arith.constant 0 : i32
    %dma_start3A_17 = tpu.memref_slice %arg2[%add3A_11, %dma_start3A_16] : memref<6400x512xi32, #tpu.memory_space<hbm>> -> memref<2x512xi32, #tpu.memory_space<hbm>>
    %dma_start3A_18 = arith.constant 0 : i32
    %dma_start3A_19 = arith.constant 0 : i32
    %dma_start3A_20 = tpu.memref_slice %arg5[%dma_start3A, %dma_start3A_18, %dma_start3A_19] : memref<2x2x512xi32, #tpu.memory_space<vmem>> -> memref<1x2x512xi32, #tpu.memory_space<vmem>>
    %dma_start3A_21 = tpu.memref_squeeze %dma_start3A_20 : memref<1x2x512xi32, #tpu.memory_space<vmem>> -> memref<2x512xi32, #tpu.memory_space<vmem>>
    %dma_start3A_22 = arith.constant 0 : i32
    %dma_start3A_23 = tpu.memref_slice %arg2[%add3A_11, %dma_start3A_22] : memref<6400x512xi32, #tpu.memory_space<hbm>> -> memref<2x512xi32, #tpu.memory_space<hbm>>
    tpu.enqueue_dma source(%dma_start3A_23 : memref<2x512xi32, #tpu.memory_space<hbm>>) target(%dma_start3A_21 : memref<2x512xi32, #tpu.memory_space<vmem>>) target_semaphore(%arg11 : memref<!tpu.dma_semaphore, #tpu.memory_space<semaphore_mem>>)
    %min3A_24 = arith.constant 1 : i32
    %min3A_25 = arith.constant 49 : i32
    %min3A_26 = arith.minsi %min3A_24, %min3A_25 : i32
    %mul3A_27 = arith.constant 2 : i32
    %mul3A_28 = arith.muli %min3A_26, %mul3A_27 : i32
    %add3A_29 = arith.addi %add3A_4, %mul3A_28 : i32
    %dma_start3A_30 = arith.constant 1 : i32
    %dma_start3A_31 = arith.constant 0 : i32
    %dma_start3A_32 = arith.constant 0 : i32
    %dma_start3A_33 = tpu.memref_slice %arg5[%dma_start3A_30, %dma_start3A_31, %dma_start3A_32] : memref<2x2x512xi32, #tpu.memory_space<vmem>> -> memref<1x2x512xi32, #tpu.memory_space<vmem>>
    %dma_start3A_34 = tpu.memref_squeeze %dma_start3A_33 : memref<1x2x512xi32, #tpu.memory_space<vmem>> -> memref<2x512xi32, #tpu.memory_space<vmem>>
    %dma_start3A_35 = arith.constant 0 : i32
    %dma_start3A_36 = tpu.memref_slice %arg2[%add3A_29, %dma_start3A_35] : memref<6400x512xi32, #tpu.memory_space<hbm>> -> memref<2x512xi32, #tpu.memory_space<hbm>>
    %dma_start3A_37 = arith.constant 0 : i32
    %dma_start3A_38 = arith.constant 0 : i32
    %dma_start3A_39 = tpu.memref_slice %arg5[%dma_start3A_30, %dma_start3A_37, %dma_start3A_38] : memref<2x2x512xi32, #tpu.memory_space<vmem>> -> memref<1x2x512xi32, #tpu.memory_space<vmem>>
    %dma_start3A_40 = tpu.memref_squeeze %dma_start3A_39 : memref<1x2x512xi32, #tpu.memory_space<vmem>> -> memref<2x512xi32, #tpu.memory_space<vmem>>
    %dma_start3A_41 = arith.constant 0 : i32
    %dma_start3A_42 = tpu.memref_slice %arg2[%add3A_29, %dma_start3A_41] : memref<6400x512xi32, #tpu.memory_space<hbm>> -> memref<2x512xi32, #tpu.memory_space<hbm>>
    tpu.enqueue_dma source(%dma_start3A_42 : memref<2x512xi32, #tpu.memory_space<hbm>>) target(%dma_start3A_40 : memref<2x512xi32, #tpu.memory_space<vmem>>) target_semaphore(%arg12 : memref<!tpu.dma_semaphore, #tpu.memory_space<semaphore_mem>>)
    %dma_wait3A = arith.constant 0 : i32
    %dma_wait3A_43 = arith.constant 0 : i32
    %dma_wait3A_44 = arith.constant 0 : i32
    %dma_wait3A_45 = tpu.memref_slice %arg5[%dma_wait3A, %dma_wait3A_43, %dma_wait3A_44] : memref<2x2x512xi32, #tpu.memory_space<vmem>> -> memref<1x2x512xi32, #tpu.memory_space<vmem>>
    %dma_wait3A_46 = tpu.memref_squeeze %dma_wait3A_45 : memref<1x2x512xi32, #tpu.memory_space<vmem>> -> memref<2x512xi32, #tpu.memory_space<vmem>>
    %dma_wait3A_47 = arith.constant 0 : i32
    %dma_wait3A_48 = arith.constant 0 : i32
    %dma_wait3A_49 = tpu.memref_slice %arg2[%dma_wait3A_47, %dma_wait3A_48] : memref<6400x512xi32, #tpu.memory_space<hbm>> -> memref<2x512xi32, #tpu.memory_space<hbm>>
    %dma_wait3A_50 = arith.constant 0 : i32
    %dma_wait3A_51 = arith.constant 0 : i32
    %dma_wait3A_52 = tpu.memref_slice %arg5[%dma_wait3A, %dma_wait3A_50, %dma_wait3A_51] : memref<2x2x512xi32, #tpu.memory_space<vmem>> -> memref<1x2x512xi32, #tpu.memory_space<vmem>>
    %dma_wait3A_53 = tpu.memref_squeeze %dma_wait3A_52 : memref<1x2x512xi32, #tpu.memory_space<vmem>> -> memref<2x512xi32, #tpu.memory_space<vmem>>
    %dma_wait3A_54 = arith.constant 0 : i32
    %dma_wait3A_55 = arith.constant 0 : i32
    %dma_wait3A_56 = tpu.memref_slice %arg2[%dma_wait3A_54, %dma_wait3A_55] : memref<6400x512xi32, #tpu.memory_space<hbm>> -> memref<2x512xi32, #tpu.memory_space<hbm>>
    tpu.wait_dma2 semaphore(%arg11 : memref<!tpu.dma_semaphore, #tpu.memory_space<semaphore_mem>>) src(%dma_wait3A_56 : memref<2x512xi32, #tpu.memory_space<hbm>>) dst(%dma_wait3A_53 : memref<2x512xi32, #tpu.memory_space<vmem>>)
    %dma_start3A_57 = arith.constant 0 : i32
    %dma_start3A_58 = arith.constant 0 : i32
    %dma_start3A_59 = arith.constant 0 : i32
    %dma_start3A_60 = arith.constant 0 : i32
    %dma_start3A_61 = arith.constant 0 : i32
    %dma_start3A_62 = tpu.memref_slice %arg6[%dma_start3A_59, %dma_start3A_60, %dma_start3A_61] : memref<2x1024x16xf32, #tpu.memory_space<vmem>> -> memref<1x512x16xf32, #tpu.memory_space<vmem>>
    %dma_start3A_63 = tpu.memref_squeeze %dma_start3A_62 : memref<1x512x16xf32, #tpu.memory_space<vmem>> -> memref<512x16xf32, #tpu.memory_space<vmem>>
    %dma_start3A_64 = arith.constant 0 : i32
    %dma_start3A_65 = tpu.memref_slice %arg5[%dma_start3A_57, %dma_start3A_58, %dma_start3A_64] : memref<2x2x512xi32, #tpu.memory_space<vmem>> -> memref<1x1x512xi32, #tpu.memory_space<vmem>>
    %dma_start3A_66 = tpu.memref_squeeze %dma_start3A_65 : memref<1x1x512xi32, #tpu.memory_space<vmem>> -> memref<512xi32, #tpu.memory_space<vmem>>
    %dma_start3A_67 = arith.constant 0 : i32
    %dma_start3A_68 = arith.constant 0 : i32
    %dma_start3A_69 = tpu.memref_slice %arg3[%dma_start3A_67, %dma_start3A_68] : memref<1000000x16xf32, #tpu.memory_space<hbm>> -> memref<1000000x16xf32, #tpu.memory_space<hbm>>
    tpu.enqueue_indirect_dma source(%dma_start3A_69 : memref<1000000x16xf32, #tpu.memory_space<hbm>>) target(%dma_start3A_63 : memref<512x16xf32, #tpu.memory_space<vmem>>) offsets(%dma_start3A_66 : memref<512xi32, #tpu.memory_space<vmem>>) semaphore(%arg7 : memref<!tpu.dma_semaphore, #tpu.memory_space<semaphore_mem>>)
    %dma_start3A_70 = arith.constant 0 : i32
    %dma_start3A_71 = arith.constant 1 : i32
    %dma_start3A_72 = arith.constant 0 : i32
    %dma_start3A_73 = arith.constant 512 : i32
    %dma_start3A_74 = arith.constant 0 : i32
    %dma_start3A_75 = tpu.memref_slice %arg6[%dma_start3A_72, %dma_start3A_73, %dma_start3A_74] : memref<2x1024x16xf32, #tpu.memory_space<vmem>> -> memref<1x512x16xf32, #tpu.memory_space<vmem>>
    %dma_start3A_76 = tpu.memref_squeeze %dma_start3A_75 : memref<1x512x16xf32, #tpu.memory_space<vmem>> -> memref<512x16xf32, #tpu.memory_space<vmem>>
    %dma_start3A_77 = arith.constant 0 : i32
    %dma_start3A_78 = tpu.memref_slice %arg5[%dma_start3A_70, %dma_start3A_71, %dma_start3A_77] : memref<2x2x512xi32, #tpu.memory_space<vmem>> -> memref<1x1x512xi32, #tpu.memory_space<vmem>>
    %dma_start3A_79 = tpu.memref_squeeze %dma_start3A_78 : memref<1x1x512xi32, #tpu.memory_space<vmem>> -> memref<512xi32, #tpu.memory_space<vmem>>
    %dma_start3A_80 = arith.constant 0 : i32
    %dma_start3A_81 = arith.constant 0 : i32
    %dma_start3A_82 = tpu.memref_slice %arg3[%dma_start3A_80, %dma_start3A_81] : memref<1000000x16xf32, #tpu.memory_space<hbm>> -> memref<1000000x16xf32, #tpu.memory_space<hbm>>
    tpu.enqueue_indirect_dma source(%dma_start3A_82 : memref<1000000x16xf32, #tpu.memory_space<hbm>>) target(%dma_start3A_76 : memref<512x16xf32, #tpu.memory_space<vmem>>) offsets(%dma_start3A_79 : memref<512xi32, #tpu.memory_space<vmem>>) semaphore(%arg7 : memref<!tpu.dma_semaphore, #tpu.memory_space<semaphore_mem>>)
    %dma_wait3A_83 = arith.constant 1 : i32
    %dma_wait3A_84 = arith.constant 0 : i32
    %dma_wait3A_85 = arith.constant 0 : i32
    %dma_wait3A_86 = tpu.memref_slice %arg5[%dma_wait3A_83, %dma_wait3A_84, %dma_wait3A_85] : memref<2x2x512xi32, #tpu.memory_space<vmem>> -> memref<1x2x512xi32, #tpu.memory_space<vmem>>
    %dma_wait3A_87 = tpu.memref_squeeze %dma_wait3A_86 : memref<1x2x512xi32, #tpu.memory_space<vmem>> -> memref<2x512xi32, #tpu.memory_space<vmem>>
    %dma_wait3A_88 = arith.constant 0 : i32
    %dma_wait3A_89 = arith.constant 0 : i32
    %dma_wait3A_90 = tpu.memref_slice %arg2[%dma_wait3A_88, %dma_wait3A_89] : memref<6400x512xi32, #tpu.memory_space<hbm>> -> memref<2x512xi32, #tpu.memory_space<hbm>>
    %dma_wait3A_91 = arith.constant 0 : i32
    %dma_wait3A_92 = arith.constant 0 : i32
    %dma_wait3A_93 = tpu.memref_slice %arg5[%dma_wait3A_83, %dma_wait3A_91, %dma_wait3A_92] : memref<2x2x512xi32, #tpu.memory_space<vmem>> -> memref<1x2x512xi32, #tpu.memory_space<vmem>>
    %dma_wait3A_94 = tpu.memref_squeeze %dma_wait3A_93 : memref<1x2x512xi32, #tpu.memory_space<vmem>> -> memref<2x512xi32, #tpu.memory_space<vmem>>
    %dma_wait3A_95 = arith.constant 0 : i32
    %dma_wait3A_96 = arith.constant 0 : i32
    %dma_wait3A_97 = tpu.memref_slice %arg2[%dma_wait3A_95, %dma_wait3A_96] : memref<6400x512xi32, #tpu.memory_space<hbm>> -> memref<2x512xi32, #tpu.memory_space<hbm>>
    tpu.wait_dma2 semaphore(%arg12 : memref<!tpu.dma_semaphore, #tpu.memory_space<semaphore_mem>>) src(%dma_wait3A_97 : memref<2x512xi32, #tpu.memory_space<hbm>>) dst(%dma_wait3A_94 : memref<2x512xi32, #tpu.memory_space<vmem>>)
    %dma_start3A_98 = arith.constant 1 : i32
    %dma_start3A_99 = arith.constant 0 : i32
    %dma_start3A_100 = arith.constant 1 : i32
    %dma_start3A_101 = arith.constant 0 : i32
    %dma_start3A_102 = arith.constant 0 : i32
    %dma_start3A_103 = tpu.memref_slice %arg6[%dma_start3A_100, %dma_start3A_101, %dma_start3A_102] : memref<2x1024x16xf32, #tpu.memory_space<vmem>> -> memref<1x512x16xf32, #tpu.memory_space<vmem>>
    %dma_start3A_104 = tpu.memref_squeeze %dma_start3A_103 : memref<1x512x16xf32, #tpu.memory_space<vmem>> -> memref<512x16xf32, #tpu.memory_space<vmem>>
    %dma_start3A_105 = arith.constant 0 : i32
    %dma_start3A_106 = tpu.memref_slice %arg5[%dma_start3A_98, %dma_start3A_99, %dma_start3A_105] : memref<2x2x512xi32, #tpu.memory_space<vmem>> -> memref<1x1x512xi32, #tpu.memory_space<vmem>>
    %dma_start3A_107 = tpu.memref_squeeze %dma_start3A_106 : memref<1x1x512xi32, #tpu.memory_space<vmem>> -> memref<512xi32, #tpu.memory_space<vmem>>
    %dma_start3A_108 = arith.constant 0 : i32
    %dma_start3A_109 = arith.constant 0 : i32
    %dma_start3A_110 = tpu.memref_slice %arg3[%dma_start3A_108, %dma_start3A_109] : memref<1000000x16xf32, #tpu.memory_space<hbm>> -> memref<1000000x16xf32, #tpu.memory_space<hbm>>
    tpu.enqueue_indirect_dma source(%dma_start3A_110 : memref<1000000x16xf32, #tpu.memory_space<hbm>>) target(%dma_start3A_104 : memref<512x16xf32, #tpu.memory_space<vmem>>) offsets(%dma_start3A_107 : memref<512xi32, #tpu.memory_space<vmem>>) semaphore(%arg8 : memref<!tpu.dma_semaphore, #tpu.memory_space<semaphore_mem>>)
    %dma_start3A_111 = arith.constant 1 : i32
    %dma_start3A_112 = arith.constant 1 : i32
    %dma_start3A_113 = arith.constant 1 : i32
    %dma_start3A_114 = arith.constant 512 : i32
    %dma_start3A_115 = arith.constant 0 : i32
    %dma_start3A_116 = tpu.memref_slice %arg6[%dma_start3A_113, %dma_start3A_114, %dma_start3A_115] : memref<2x1024x16xf32, #tpu.memory_space<vmem>> -> memref<1x512x16xf32, #tpu.memory_space<vmem>>
    %dma_start3A_117 = tpu.memref_squeeze %dma_start3A_116 : memref<1x512x16xf32, #tpu.memory_space<vmem>> -> memref<512x16xf32, #tpu.memory_space<vmem>>
    %dma_start3A_118 = arith.constant 0 : i32
    %dma_start3A_119 = tpu.memref_slice %arg5[%dma_start3A_111, %dma_start3A_112, %dma_start3A_118] : memref<2x2x512xi32, #tpu.memory_space<vmem>> -> memref<1x1x512xi32, #tpu.memory_space<vmem>>
    %dma_start3A_120 = tpu.memref_squeeze %dma_start3A_119 : memref<1x1x512xi32, #tpu.memory_space<vmem>> -> memref<512xi32, #tpu.memory_space<vmem>>
    %dma_start3A_121 = arith.constant 0 : i32
    %dma_start3A_122 = arith.constant 0 : i32
    %dma_start3A_123 = tpu.memref_slice %arg3[%dma_start3A_121, %dma_start3A_122] : memref<1000000x16xf32, #tpu.memory_space<hbm>> -> memref<1000000x16xf32, #tpu.memory_space<hbm>>
    tpu.enqueue_indirect_dma source(%dma_start3A_123 : memref<1000000x16xf32, #tpu.memory_space<hbm>>) target(%dma_start3A_117 : memref<512x16xf32, #tpu.memory_space<vmem>>) offsets(%dma_start3A_120 : memref<512xi32, #tpu.memory_space<vmem>>) semaphore(%arg8 : memref<!tpu.dma_semaphore, #tpu.memory_space<semaphore_mem>>)
    %dma_wait3A_124 = arith.constant 0 : i32
    %dma_wait3A_125 = arith.constant 0 : i32
    %dma_wait3A_126 = arith.constant 0 : i32
    %dma_wait3A_127 = tpu.memref_slice %arg6[%dma_wait3A_124, %dma_wait3A_125, %dma_wait3A_126] : memref<2x1024x16xf32, #tpu.memory_space<vmem>> -> memref<1x1024x16xf32, #tpu.memory_space<vmem>>
    %dma_wait3A_128 = tpu.memref_squeeze %dma_wait3A_127 : memref<1x1024x16xf32, #tpu.memory_space<vmem>> -> memref<1024x16xf32, #tpu.memory_space<vmem>>
    %dma_wait3A_129 = arith.constant 0 : i32
    %dma_wait3A_130 = arith.constant 0 : i32
    %dma_wait3A_131 = tpu.memref_slice %arg4[%dma_wait3A_129, %dma_wait3A_130] : memref<1638400x16xf32, #tpu.memory_space<hbm>> -> memref<1024x16xf32, #tpu.memory_space<hbm>>
    %dma_wait3A_132 = arith.constant 0 : i32
    %dma_wait3A_133 = arith.constant 0 : i32
    %dma_wait3A_134 = tpu.memref_slice %arg6[%dma_wait3A_124, %dma_wait3A_132, %dma_wait3A_133] : memref<2x1024x16xf32, #tpu.memory_space<vmem>> -> memref<1x1024x16xf32, #tpu.memory_space<vmem>>
    %dma_wait3A_135 = tpu.memref_squeeze %dma_wait3A_134 : memref<1x1024x16xf32, #tpu.memory_space<vmem>> -> memref<1024x16xf32, #tpu.memory_space<vmem>>
    %dma_wait3A_136 = arith.constant 0 : i32
    %dma_wait3A_137 = arith.constant 0 : i32
    %dma_wait3A_138 = tpu.memref_slice %arg4[%dma_wait3A_136, %dma_wait3A_137] : memref<1638400x16xf32, #tpu.memory_space<hbm>> -> memref<1024x16xf32, #tpu.memory_space<hbm>>
    tpu.wait_dma2 semaphore(%arg7 : memref<!tpu.dma_semaphore, #tpu.memory_space<semaphore_mem>>) src(%dma_wait3A_138 : memref<1024x16xf32, #tpu.memory_space<hbm>>) dst(%dma_wait3A_135 : memref<1024x16xf32, #tpu.memory_space<vmem>>)
    %add3A_139 = arith.constant 0 : i32
    %add3A_140 = arith.addi %mul3A_6, %add3A_139 : i32
    %dma_start3A_141 = arith.constant 0 : i32
    %dma_start3A_142 = arith.constant 0 : i32
    %dma_start3A_143 = arith.constant 0 : i32
    %dma_start3A_144 = tpu.memref_slice %arg6[%dma_start3A_141, %dma_start3A_142, %dma_start3A_143] : memref<2x1024x16xf32, #tpu.memory_space<vmem>> -> memref<1x1024x16xf32, #tpu.memory_space<vmem>>
    %dma_start3A_145 = tpu.memref_squeeze %dma_start3A_144 : memref<1x1024x16xf32, #tpu.memory_space<vmem>> -> memref<1024x16xf32, #tpu.memory_space<vmem>>
    %dma_start3A_146 = arith.constant 0 : i32
    %dma_start3A_147 = tpu.memref_slice %arg4[%add3A_140, %dma_start3A_146] : memref<1638400x16xf32, #tpu.memory_space<hbm>> -> memref<1024x16xf32, #tpu.memory_space<hbm>>
    %dma_start3A_148 = arith.constant 0 : i32
    %dma_start3A_149 = tpu.memref_slice %arg4[%add3A_140, %dma_start3A_148] : memref<1638400x16xf32, #tpu.memory_space<hbm>> -> memref<1024x16xf32, #tpu.memory_space<hbm>>
    %dma_start3A_150 = arith.constant 0 : i32
    %dma_start3A_151 = arith.constant 0 : i32
    %dma_start3A_152 = tpu.memref_slice %arg6[%dma_start3A_141, %dma_start3A_150, %dma_start3A_151] : memref<2x1024x16xf32, #tpu.memory_space<vmem>> -> memref<1x1024x16xf32, #tpu.memory_space<vmem>>
    %dma_start3A_153 = tpu.memref_squeeze %dma_start3A_152 : memref<1x1024x16xf32, #tpu.memory_space<vmem>> -> memref<1024x16xf32, #tpu.memory_space<vmem>>
    tpu.enqueue_dma source(%dma_start3A_153 : memref<1024x16xf32, #tpu.memory_space<vmem>>) target(%dma_start3A_149 : memref<1024x16xf32, #tpu.memory_space<hbm>>) target_semaphore(%arg9 : memref<!tpu.dma_semaphore, #tpu.memory_space<semaphore_mem>>)
    %min3A_154 = arith.constant 2 : i32
    %min3A_155 = arith.constant 49 : i32
    %min3A_156 = arith.minsi %min3A_154, %min3A_155 : i32
    %mul3A_157 = arith.constant 2 : i32
    %mul3A_158 = arith.muli %min3A_156, %mul3A_157 : i32
    %add3A_159 = arith.addi %add3A_4, %mul3A_158 : i32
    %dma_start3A_160 = arith.constant 0 : i32
    %dma_start3A_161 = arith.constant 0 : i32
    %dma_start3A_162 = arith.constant 0 : i32
    %dma_start3A_163 = tpu.memref_slice %arg5[%dma_start3A_160, %dma_start3A_161, %dma_start3A_162] : memref<2x2x512xi32, #tpu.memory_space<vmem>> -> memref<1x2x512xi32, #tpu.memory_space<vmem>>
    %dma_start3A_164 = tpu.memref_squeeze %dma_start3A_163 : memref<1x2x512xi32, #tpu.memory_space<vmem>> -> memref<2x512xi32, #tpu.memory_space<vmem>>
    %dma_start3A_165 = arith.constant 0 : i32
    %dma_start3A_166 = tpu.memref_slice %arg2[%add3A_159, %dma_start3A_165] : memref<6400x512xi32, #tpu.memory_space<hbm>> -> memref<2x512xi32, #tpu.memory_space<hbm>>
    %dma_start3A_167 = arith.constant 0 : i32
    %dma_start3A_168 = arith.constant 0 : i32
    %dma_start3A_169 = tpu.memref_slice %arg5[%dma_start3A_160, %dma_start3A_167, %dma_start3A_168] : memref<2x2x512xi32, #tpu.memory_space<vmem>> -> memref<1x2x512xi32, #tpu.memory_space<vmem>>
    %dma_start3A_170 = tpu.memref_squeeze %dma_start3A_169 : memref<1x2x512xi32, #tpu.memory_space<vmem>> -> memref<2x512xi32, #tpu.memory_space<vmem>>
    %dma_start3A_171 = arith.constant 0 : i32
    %dma_start3A_172 = tpu.memref_slice %arg2[%add3A_159, %dma_start3A_171] : memref<6400x512xi32, #tpu.memory_space<hbm>> -> memref<2x512xi32, #tpu.memory_space<hbm>>
    tpu.enqueue_dma source(%dma_start3A_172 : memref<2x512xi32, #tpu.memory_space<hbm>>) target(%dma_start3A_170 : memref<2x512xi32, #tpu.memory_space<vmem>>) target_semaphore(%arg11 : memref<!tpu.dma_semaphore, #tpu.memory_space<semaphore_mem>>)
    %dma_wait3A_173 = arith.constant 1 : i32
    %dma_wait3A_174 = arith.constant 0 : i32
    %dma_wait3A_175 = arith.constant 0 : i32
    %dma_wait3A_176 = tpu.memref_slice %arg6[%dma_wait3A_173, %dma_wait3A_174, %dma_wait3A_175] : memref<2x1024x16xf32, #tpu.memory_space<vmem>> -> memref<1x1024x16xf32, #tpu.memory_space<vmem>>
    %dma_wait3A_177 = tpu.memref_squeeze %dma_wait3A_176 : memref<1x1024x16xf32, #tpu.memory_space<vmem>> -> memref<1024x16xf32, #tpu.memory_space<vmem>>
    %dma_wait3A_178 = arith.constant 0 : i32
    %dma_wait3A_179 = arith.constant 0 : i32
    %dma_wait3A_180 = tpu.memref_slice %arg4[%dma_wait3A_178, %dma_wait3A_179] : memref<1638400x16xf32, #tpu.memory_space<hbm>> -> memref<1024x16xf32, #tpu.memory_space<hbm>>
    %dma_wait3A_181 = arith.constant 0 : i32
    %dma_wait3A_182 = arith.constant 0 : i32
    %dma_wait3A_183 = tpu.memref_slice %arg6[%dma_wait3A_173, %dma_wait3A_181, %dma_wait3A_182] : memref<2x1024x16xf32, #tpu.memory_space<vmem>> -> memref<1x1024x16xf32, #tpu.memory_space<vmem>>
    %dma_wait3A_184 = tpu.memref_squeeze %dma_wait3A_183 : memref<1x1024x16xf32, #tpu.memory_space<vmem>> -> memref<1024x16xf32, #tpu.memory_space<vmem>>
    %dma_wait3A_185 = arith.constant 0 : i32
    %dma_wait3A_186 = arith.constant 0 : i32
    %dma_wait3A_187 = tpu.memref_slice %arg4[%dma_wait3A_185, %dma_wait3A_186] : memref<1638400x16xf32, #tpu.memory_space<hbm>> -> memref<1024x16xf32, #tpu.memory_space<hbm>>
    tpu.wait_dma2 semaphore(%arg8 : memref<!tpu.dma_semaphore, #tpu.memory_space<semaphore_mem>>) src(%dma_wait3A_187 : memref<1024x16xf32, #tpu.memory_space<hbm>>) dst(%dma_wait3A_184 : memref<1024x16xf32, #tpu.memory_space<vmem>>)
    %add3A_188 = arith.constant 1024 : i32
    %add3A_189 = arith.addi %mul3A_6, %add3A_188 : i32
    %dma_start3A_190 = arith.constant 1 : i32
    %dma_start3A_191 = arith.constant 0 : i32
    %dma_start3A_192 = arith.constant 0 : i32
    %dma_start3A_193 = tpu.memref_slice %arg6[%dma_start3A_190, %dma_start3A_191, %dma_start3A_192] : memref<2x1024x16xf32, #tpu.memory_space<vmem>> -> memref<1x1024x16xf32, #tpu.memory_space<vmem>>
    %dma_start3A_194 = tpu.memref_squeeze %dma_start3A_193 : memref<1x1024x16xf32, #tpu.memory_space<vmem>> -> memref<1024x16xf32, #tpu.memory_space<vmem>>
    %dma_start3A_195 = arith.constant 0 : i32
    %dma_start3A_196 = tpu.memref_slice %arg4[%add3A_189, %dma_start3A_195] : memref<1638400x16xf32, #tpu.memory_space<hbm>> -> memref<1024x16xf32, #tpu.memory_space<hbm>>
    %dma_start3A_197 = arith.constant 0 : i32
    %dma_start3A_198 = tpu.memref_slice %arg4[%add3A_189, %dma_start3A_197] : memref<1638400x16xf32, #tpu.memory_space<hbm>> -> memref<1024x16xf32, #tpu.memory_space<hbm>>
    %dma_start3A_199 = arith.constant 0 : i32
    %dma_start3A_200 = arith.constant 0 : i32
    %dma_start3A_201 = tpu.memref_slice %arg6[%dma_start3A_190, %dma_start3A_199, %dma_start3A_200] : memref<2x1024x16xf32, #tpu.memory_space<vmem>> -> memref<1x1024x16xf32, #tpu.memory_space<vmem>>
    %dma_start3A_202 = tpu.memref_squeeze %dma_start3A_201 : memref<1x1024x16xf32, #tpu.memory_space<vmem>> -> memref<1024x16xf32, #tpu.memory_space<vmem>>
    tpu.enqueue_dma source(%dma_start3A_202 : memref<1024x16xf32, #tpu.memory_space<vmem>>) target(%dma_start3A_198 : memref<1024x16xf32, #tpu.memory_space<hbm>>) target_semaphore(%arg10 : memref<!tpu.dma_semaphore, #tpu.memory_space<semaphore_mem>>)
    %min3A_203 = arith.constant 3 : i32
    %min3A_204 = arith.constant 49 : i32
    %min3A_205 = arith.minsi %min3A_203, %min3A_204 : i32
    %mul3A_206 = arith.constant 2 : i32
    %mul3A_207 = arith.muli %min3A_205, %mul3A_206 : i32
    %add3A_208 = arith.addi %add3A_4, %mul3A_207 : i32
    %dma_start3A_209 = arith.constant 1 : i32
    %dma_start3A_210 = arith.constant 0 : i32
    %dma_start3A_211 = arith.constant 0 : i32
    %dma_start3A_212 = tpu.memref_slice %arg5[%dma_start3A_209, %dma_start3A_210, %dma_start3A_211] : memref<2x2x512xi32, #tpu.memory_space<vmem>> -> memref<1x2x512xi32, #tpu.memory_space<vmem>>
    %dma_start3A_213 = tpu.memref_squeeze %dma_start3A_212 : memref<1x2x512xi32, #tpu.memory_space<vmem>> -> memref<2x512xi32, #tpu.memory_space<vmem>>
    %dma_start3A_214 = arith.constant 0 : i32
    %dma_start3A_215 = tpu.memref_slice %arg2[%add3A_208, %dma_start3A_214] : memref<6400x512xi32, #tpu.memory_space<hbm>> -> memref<2x512xi32, #tpu.memory_space<hbm>>
    %dma_start3A_216 = arith.constant 0 : i32
    %dma_start3A_217 = arith.constant 0 : i32
    %dma_start3A_218 = tpu.memref_slice %arg5[%dma_start3A_209, %dma_start3A_216, %dma_start3A_217] : memref<2x2x512xi32, #tpu.memory_space<vmem>> -> memref<1x2x512xi32, #tpu.memory_space<vmem>>
    %dma_start3A_219 = tpu.memref_squeeze %dma_start3A_218 : memref<1x2x512xi32, #tpu.memory_space<vmem>> -> memref<2x512xi32, #tpu.memory_space<vmem>>
    %dma_start3A_220 = arith.constant 0 : i32
    %dma_start3A_221 = tpu.memref_slice %arg2[%add3A_208, %dma_start3A_220] : memref<6400x512xi32, #tpu.memory_space<hbm>> -> memref<2x512xi32, #tpu.memory_space<hbm>>
    tpu.enqueue_dma source(%dma_start3A_221 : memref<2x512xi32, #tpu.memory_space<hbm>>) target(%dma_start3A_219 : memref<2x512xi32, #tpu.memory_space<vmem>>) target_semaphore(%arg12 : memref<!tpu.dma_semaphore, #tpu.memory_space<semaphore_mem>>)
    %scan3A = arith.constant 0 : i32
    %scan3A_222 = arith.constant 1 : i32
    %scan3A_223 = arith.constant 24 : i32
    %scan3A_224 = arith.addi %scan3A_222, %scan3A_223 : i32
    %scan3A_225 = arith.constant 1 : i32
    scf.for %scan3A_287 = %scan3A_222 to %scan3A_224 step %scan3A_225  : i32 {
      %mul3A_288 = arith.constant 2 : i32
      %mul3A_289 = arith.muli %mul3A_288, %scan3A_287 : i32
      %dma_wait3A_290 = arith.constant 0 : i32
      %dma_wait3A_291 = arith.constant 0 : i32
      %dma_wait3A_292 = arith.constant 0 : i32
      %dma_wait3A_293 = tpu.memref_slice %arg6[%dma_wait3A_290, %dma_wait3A_291, %dma_wait3A_292] : memref<2x1024x16xf32, #tpu.memory_space<vmem>> -> memref<1x1024x16xf32, #tpu.memory_space<vmem>>
      %dma_wait3A_294 = tpu.memref_squeeze %dma_wait3A_293 : memref<1x1024x16xf32, #tpu.memory_space<vmem>> -> memref<1024x16xf32, #tpu.memory_space<vmem>>
      %dma_wait3A_295 = arith.constant 0 : i32
      %dma_wait3A_296 = arith.constant 0 : i32
      %dma_wait3A_297 = tpu.memref_slice %arg4[%dma_wait3A_295, %dma_wait3A_296] : memref<1638400x16xf32, #tpu.memory_space<hbm>> -> memref<1024x16xf32, #tpu.memory_space<hbm>>
      %dma_wait3A_298 = arith.constant 0 : i32
      %dma_wait3A_299 = arith.constant 0 : i32
      %dma_wait3A_300 = tpu.memref_slice %arg4[%dma_wait3A_298, %dma_wait3A_299] : memref<1638400x16xf32, #tpu.memory_space<hbm>> -> memref<1024x16xf32, #tpu.memory_space<hbm>>
      %dma_wait3A_301 = arith.constant 0 : i32
      %dma_wait3A_302 = arith.constant 0 : i32
      %dma_wait3A_303 = tpu.memref_slice %arg6[%dma_wait3A_290, %dma_wait3A_301, %dma_wait3A_302] : memref<2x1024x16xf32, #tpu.memory_space<vmem>> -> memref<1x1024x16xf32, #tpu.memory_space<vmem>>
      %dma_wait3A_304 = tpu.memref_squeeze %dma_wait3A_303 : memref<1x1024x16xf32, #tpu.memory_space<vmem>> -> memref<1024x16xf32, #tpu.memory_space<vmem>>
      tpu.wait_dma2 semaphore(%arg9 : memref<!tpu.dma_semaphore, #tpu.memory_space<semaphore_mem>>) src(%dma_wait3A_304 : memref<1024x16xf32, #tpu.memory_space<vmem>>) dst(%dma_wait3A_300 : memref<1024x16xf32, #tpu.memory_space<hbm>>)
      %dma_wait3A_305 = arith.constant 0 : i32
      %dma_wait3A_306 = arith.constant 0 : i32
      %dma_wait3A_307 = arith.constant 0 : i32
      %dma_wait3A_308 = tpu.memref_slice %arg5[%dma_wait3A_305, %dma_wait3A_306, %dma_wait3A_307] : memref<2x2x512xi32, #tpu.memory_space<vmem>> -> memref<1x2x512xi32, #tpu.memory_space<vmem>>
      %dma_wait3A_309 = tpu.memref_squeeze %dma_wait3A_308 : memref<1x2x512xi32, #tpu.memory_space<vmem>> -> memref<2x512xi32, #tpu.memory_space<vmem>>
      %dma_wait3A_310 = arith.constant 0 : i32
      %dma_wait3A_311 = arith.constant 0 : i32
      %dma_wait3A_312 = tpu.memref_slice %arg2[%dma_wait3A_310, %dma_wait3A_311] : memref<6400x512xi32, #tpu.memory_space<hbm>> -> memref<2x512xi32, #tpu.memory_space<hbm>>
      %dma_wait3A_313 = arith.constant 0 : i32
      %dma_wait3A_314 = arith.constant 0 : i32
      %dma_wait3A_315 = tpu.memref_slice %arg5[%dma_wait3A_305, %dma_wait3A_313, %dma_wait3A_314] : memref<2x2x512xi32, #tpu.memory_space<vmem>> -> memref<1x2x512xi32, #tpu.memory_space<vmem>>
      %dma_wait3A_316 = tpu.memref_squeeze %dma_wait3A_315 : memref<1x2x512xi32, #tpu.memory_space<vmem>> -> memref<2x512xi32, #tpu.memory_space<vmem>>
      %dma_wait3A_317 = arith.constant 0 : i32
      %dma_wait3A_318 = arith.constant 0 : i32
      %dma_wait3A_319 = tpu.memref_slice %arg2[%dma_wait3A_317, %dma_wait3A_318] : memref<6400x512xi32, #tpu.memory_space<hbm>> -> memref<2x512xi32, #tpu.memory_space<hbm>>
      tpu.wait_dma2 semaphore(%arg11 : memref<!tpu.dma_semaphore, #tpu.memory_space<semaphore_mem>>) src(%dma_wait3A_319 : memref<2x512xi32, #tpu.memory_space<hbm>>) dst(%dma_wait3A_316 : memref<2x512xi32, #tpu.memory_space<vmem>>)
      %add3A_320 = arith.constant 0 : i32
      %add3A_321 = arith.addi %mul3A_289, %add3A_320 : i32
      %dma_start3A_322 = arith.constant 0 : i32
      %dma_start3A_323 = arith.constant 0 : i32
      %dma_start3A_324 = arith.constant 0 : i32
      %dma_start3A_325 = arith.constant 0 : i32
      %dma_start3A_326 = arith.constant 0 : i32
      %dma_start3A_327 = tpu.memref_slice %arg6[%dma_start3A_324, %dma_start3A_325, %dma_start3A_326] : memref<2x1024x16xf32, #tpu.memory_space<vmem>> -> memref<1x512x16xf32, #tpu.memory_space<vmem>>
      %dma_start3A_328 = tpu.memref_squeeze %dma_start3A_327 : memref<1x512x16xf32, #tpu.memory_space<vmem>> -> memref<512x16xf32, #tpu.memory_space<vmem>>
      %dma_start3A_329 = arith.constant 0 : i32
      %dma_start3A_330 = tpu.memref_slice %arg5[%dma_start3A_322, %dma_start3A_323, %dma_start3A_329] : memref<2x2x512xi32, #tpu.memory_space<vmem>> -> memref<1x1x512xi32, #tpu.memory_space<vmem>>
      %dma_start3A_331 = tpu.memref_squeeze %dma_start3A_330 : memref<1x1x512xi32, #tpu.memory_space<vmem>> -> memref<512xi32, #tpu.memory_space<vmem>>
      %dma_start3A_332 = arith.constant 0 : i32
      %dma_start3A_333 = arith.constant 0 : i32
      %dma_start3A_334 = tpu.memref_slice %arg3[%dma_start3A_332, %dma_start3A_333] : memref<1000000x16xf32, #tpu.memory_space<hbm>> -> memref<1000000x16xf32, #tpu.memory_space<hbm>>
      tpu.enqueue_indirect_dma source(%dma_start3A_334 : memref<1000000x16xf32, #tpu.memory_space<hbm>>) target(%dma_start3A_328 : memref<512x16xf32, #tpu.memory_space<vmem>>) offsets(%dma_start3A_331 : memref<512xi32, #tpu.memory_space<vmem>>) semaphore(%arg7 : memref<!tpu.dma_semaphore, #tpu.memory_space<semaphore_mem>>)
      %dma_start3A_335 = arith.constant 0 : i32
      %dma_start3A_336 = arith.constant 1 : i32
      %dma_start3A_337 = arith.constant 0 : i32
      %dma_start3A_338 = arith.constant 512 : i32
      %dma_start3A_339 = arith.constant 0 : i32
      %dma_start3A_340 = tpu.memref_slice %arg6[%dma_start3A_337, %dma_start3A_338, %dma_start3A_339] : memref<2x1024x16xf32, #tpu.memory_space<vmem>> -> memref<1x512x16xf32, #tpu.memory_space<vmem>>
      %dma_start3A_341 = tpu.memref_squeeze %dma_start3A_340 : memref<1x512x16xf32, #tpu.memory_space<vmem>> -> memref<512x16xf32, #tpu.memory_space<vmem>>
      %dma_start3A_342 = arith.constant 0 : i32
      %dma_start3A_343 = tpu.memref_slice %arg5[%dma_start3A_335, %dma_start3A_336, %dma_start3A_342] : memref<2x2x512xi32, #tpu.memory_space<vmem>> -> memref<1x1x512xi32, #tpu.memory_space<vmem>>
      %dma_start3A_344 = tpu.memref_squeeze %dma_start3A_343 : memref<1x1x512xi32, #tpu.memory_space<vmem>> -> memref<512xi32, #tpu.memory_space<vmem>>
      %dma_start3A_345 = arith.constant 0 : i32
      %dma_start3A_346 = arith.constant 0 : i32
      %dma_start3A_347 = tpu.memref_slice %arg3[%dma_start3A_345, %dma_start3A_346] : memref<1000000x16xf32, #tpu.memory_space<hbm>> -> memref<1000000x16xf32, #tpu.memory_space<hbm>>
      tpu.enqueue_indirect_dma source(%dma_start3A_347 : memref<1000000x16xf32, #tpu.memory_space<hbm>>) target(%dma_start3A_341 : memref<512x16xf32, #tpu.memory_space<vmem>>) offsets(%dma_start3A_344 : memref<512xi32, #tpu.memory_space<vmem>>) semaphore(%arg7 : memref<!tpu.dma_semaphore, #tpu.memory_space<semaphore_mem>>)
      %dma_wait3A_348 = arith.constant 1 : i32
      %dma_wait3A_349 = arith.constant 0 : i32
      %dma_wait3A_350 = arith.constant 0 : i32
      %dma_wait3A_351 = tpu.memref_slice %arg6[%dma_wait3A_348, %dma_wait3A_349, %dma_wait3A_350] : memref<2x1024x16xf32, #tpu.memory_space<vmem>> -> memref<1x1024x16xf32, #tpu.memory_space<vmem>>
      %dma_wait3A_352 = tpu.memref_squeeze %dma_wait3A_351 : memref<1x1024x16xf32, #tpu.memory_space<vmem>> -> memref<1024x16xf32, #tpu.memory_space<vmem>>
      %dma_wait3A_353 = arith.constant 0 : i32
      %dma_wait3A_354 = arith.constant 0 : i32
      %dma_wait3A_355 = tpu.memref_slice %arg4[%dma_wait3A_353, %dma_wait3A_354] : memref<1638400x16xf32, #tpu.memory_space<hbm>> -> memref<1024x16xf32, #tpu.memory_space<hbm>>
      %dma_wait3A_356 = arith.constant 0 : i32
      %dma_wait3A_357 = arith.constant 0 : i32
      %dma_wait3A_358 = tpu.memref_slice %arg4[%dma_wait3A_356, %dma_wait3A_357] : memref<1638400x16xf32, #tpu.memory_space<hbm>> -> memref<1024x16xf32, #tpu.memory_space<hbm>>
      %dma_wait3A_359 = arith.constant 0 : i32
      %dma_wait3A_360 = arith.constant 0 : i32
      %dma_wait3A_361 = tpu.memref_slice %arg6[%dma_wait3A_348, %dma_wait3A_359, %dma_wait3A_360] : memref<2x1024x16xf32, #tpu.memory_space<vmem>> -> memref<1x1024x16xf32, #tpu.memory_space<vmem>>
      %dma_wait3A_362 = tpu.memref_squeeze %dma_wait3A_361 : memref<1x1024x16xf32, #tpu.memory_space<vmem>> -> memref<1024x16xf32, #tpu.memory_space<vmem>>
      tpu.wait_dma2 semaphore(%arg10 : memref<!tpu.dma_semaphore, #tpu.memory_space<semaphore_mem>>) src(%dma_wait3A_362 : memref<1024x16xf32, #tpu.memory_space<vmem>>) dst(%dma_wait3A_358 : memref<1024x16xf32, #tpu.memory_space<hbm>>)
      %dma_wait3A_363 = arith.constant 1 : i32
      %dma_wait3A_364 = arith.constant 0 : i32
      %dma_wait3A_365 = arith.constant 0 : i32
      %dma_wait3A_366 = tpu.memref_slice %arg5[%dma_wait3A_363, %dma_wait3A_364, %dma_wait3A_365] : memref<2x2x512xi32, #tpu.memory_space<vmem>> -> memref<1x2x512xi32, #tpu.memory_space<vmem>>
      %dma_wait3A_367 = tpu.memref_squeeze %dma_wait3A_366 : memref<1x2x512xi32, #tpu.memory_space<vmem>> -> memref<2x512xi32, #tpu.memory_space<vmem>>
      %dma_wait3A_368 = arith.constant 0 : i32
      %dma_wait3A_369 = arith.constant 0 : i32
      %dma_wait3A_370 = tpu.memref_slice %arg2[%dma_wait3A_368, %dma_wait3A_369] : memref<6400x512xi32, #tpu.memory_space<hbm>> -> memref<2x512xi32, #tpu.memory_space<hbm>>
      %dma_wait3A_371 = arith.constant 0 : i32
      %dma_wait3A_372 = arith.constant 0 : i32
      %dma_wait3A_373 = tpu.memref_slice %arg5[%dma_wait3A_363, %dma_wait3A_371, %dma_wait3A_372] : memref<2x2x512xi32, #tpu.memory_space<vmem>> -> memref<1x2x512xi32, #tpu.memory_space<vmem>>
      %dma_wait3A_374 = tpu.memref_squeeze %dma_wait3A_373 : memref<1x2x512xi32, #tpu.memory_space<vmem>> -> memref<2x512xi32, #tpu.memory_space<vmem>>
      %dma_wait3A_375 = arith.constant 0 : i32
      %dma_wait3A_376 = arith.constant 0 : i32
      %dma_wait3A_377 = tpu.memref_slice %arg2[%dma_wait3A_375, %dma_wait3A_376] : memref<6400x512xi32, #tpu.memory_space<hbm>> -> memref<2x512xi32, #tpu.memory_space<hbm>>
      tpu.wait_dma2 semaphore(%arg12 : memref<!tpu.dma_semaphore, #tpu.memory_space<semaphore_mem>>) src(%dma_wait3A_377 : memref<2x512xi32, #tpu.memory_space<hbm>>) dst(%dma_wait3A_374 : memref<2x512xi32, #tpu.memory_space<vmem>>)
      %add3A_378 = arith.constant 1 : i32
      %add3A_379 = arith.addi %mul3A_289, %add3A_378 : i32
      %dma_start3A_380 = arith.constant 1 : i32
      %dma_start3A_381 = arith.constant 0 : i32
      %dma_start3A_382 = arith.constant 1 : i32
      %dma_start3A_383 = arith.constant 0 : i32
      %dma_start3A_384 = arith.constant 0 : i32
      %dma_start3A_385 = tpu.memref_slice %arg6[%dma_start3A_382, %dma_start3A_383, %dma_start3A_384] : memref<2x1024x16xf32, #tpu.memory_space<vmem>> -> memref<1x512x16xf32, #tpu.memory_space<vmem>>
      %dma_start3A_386 = tpu.memref_squeeze %dma_start3A_385 : memref<1x512x16xf32, #tpu.memory_space<vmem>> -> memref<512x16xf32, #tpu.memory_space<vmem>>
      %dma_start3A_387 = arith.constant 0 : i32
      %dma_start3A_388 = tpu.memref_slice %arg5[%dma_start3A_380, %dma_start3A_381, %dma_start3A_387] : memref<2x2x512xi32, #tpu.memory_space<vmem>> -> memref<1x1x512xi32, #tpu.memory_space<vmem>>
      %dma_start3A_389 = tpu.memref_squeeze %dma_start3A_388 : memref<1x1x512xi32, #tpu.memory_space<vmem>> -> memref<512xi32, #tpu.memory_space<vmem>>
      %dma_start3A_390 = arith.constant 0 : i32
      %dma_start3A_391 = arith.constant 0 : i32
      %dma_start3A_392 = tpu.memref_slice %arg3[%dma_start3A_390, %dma_start3A_391] : memref<1000000x16xf32, #tpu.memory_space<hbm>> -> memref<1000000x16xf32, #tpu.memory_space<hbm>>
      tpu.enqueue_indirect_dma source(%dma_start3A_392 : memref<1000000x16xf32, #tpu.memory_space<hbm>>) target(%dma_start3A_386 : memref<512x16xf32, #tpu.memory_space<vmem>>) offsets(%dma_start3A_389 : memref<512xi32, #tpu.memory_space<vmem>>) semaphore(%arg8 : memref<!tpu.dma_semaphore, #tpu.memory_space<semaphore_mem>>)
      %dma_start3A_393 = arith.constant 1 : i32
      %dma_start3A_394 = arith.constant 1 : i32
      %dma_start3A_395 = arith.constant 1 : i32
      %dma_start3A_396 = arith.constant 512 : i32
      %dma_start3A_397 = arith.constant 0 : i32
      %dma_start3A_398 = tpu.memref_slice %arg6[%dma_start3A_395, %dma_start3A_396, %dma_start3A_397] : memref<2x1024x16xf32, #tpu.memory_space<vmem>> -> memref<1x512x16xf32, #tpu.memory_space<vmem>>
      %dma_start3A_399 = tpu.memref_squeeze %dma_start3A_398 : memref<1x512x16xf32, #tpu.memory_space<vmem>> -> memref<512x16xf32, #tpu.memory_space<vmem>>
      %dma_start3A_400 = arith.constant 0 : i32
      %dma_start3A_401 = tpu.memref_slice %arg5[%dma_start3A_393, %dma_start3A_394, %dma_start3A_400] : memref<2x2x512xi32, #tpu.memory_space<vmem>> -> memref<1x1x512xi32, #tpu.memory_space<vmem>>
      %dma_start3A_402 = tpu.memref_squeeze %dma_start3A_401 : memref<1x1x512xi32, #tpu.memory_space<vmem>> -> memref<512xi32, #tpu.memory_space<vmem>>
      %dma_start3A_403 = arith.constant 0 : i32
      %dma_start3A_404 = arith.constant 0 : i32
      %dma_start3A_405 = tpu.memref_slice %arg3[%dma_start3A_403, %dma_start3A_404] : memref<1000000x16xf32, #tpu.memory_space<hbm>> -> memref<1000000x16xf32, #tpu.memory_space<hbm>>
      tpu.enqueue_indirect_dma source(%dma_start3A_405 : memref<1000000x16xf32, #tpu.memory_space<hbm>>) target(%dma_start3A_399 : memref<512x16xf32, #tpu.memory_space<vmem>>) offsets(%dma_start3A_402 : memref<512xi32, #tpu.memory_space<vmem>>) semaphore(%arg8 : memref<!tpu.dma_semaphore, #tpu.memory_space<semaphore_mem>>)
      %dma_wait3A_406 = arith.constant 0 : i32
      %dma_wait3A_407 = arith.constant 0 : i32
      %dma_wait3A_408 = arith.constant 0 : i32
      %dma_wait3A_409 = tpu.memref_slice %arg6[%dma_wait3A_406, %dma_wait3A_407, %dma_wait3A_408] : memref<2x1024x16xf32, #tpu.memory_space<vmem>> -> memref<1x1024x16xf32, #tpu.memory_space<vmem>>
      %dma_wait3A_410 = tpu.memref_squeeze %dma_wait3A_409 : memref<1x1024x16xf32, #tpu.memory_space<vmem>> -> memref<1024x16xf32, #tpu.memory_space<vmem>>
      %dma_wait3A_411 = arith.constant 0 : i32
      %dma_wait3A_412 = arith.constant 0 : i32
      %dma_wait3A_413 = tpu.memref_slice %arg4[%dma_wait3A_411, %dma_wait3A_412] : memref<1638400x16xf32, #tpu.memory_space<hbm>> -> memref<1024x16xf32, #tpu.memory_space<hbm>>
      %dma_wait3A_414 = arith.constant 0 : i32
      %dma_wait3A_415 = arith.constant 0 : i32
      %dma_wait3A_416 = tpu.memref_slice %arg6[%dma_wait3A_406, %dma_wait3A_414, %dma_wait3A_415] : memref<2x1024x16xf32, #tpu.memory_space<vmem>> -> memref<1x1024x16xf32, #tpu.memory_space<vmem>>
      %dma_wait3A_417 = tpu.memref_squeeze %dma_wait3A_416 : memref<1x1024x16xf32, #tpu.memory_space<vmem>> -> memref<1024x16xf32, #tpu.memory_space<vmem>>
      %dma_wait3A_418 = arith.constant 0 : i32
      %dma_wait3A_419 = arith.constant 0 : i32
      %dma_wait3A_420 = tpu.memref_slice %arg4[%dma_wait3A_418, %dma_wait3A_419] : memref<1638400x16xf32, #tpu.memory_space<hbm>> -> memref<1024x16xf32, #tpu.memory_space<hbm>>
      tpu.wait_dma2 semaphore(%arg7 : memref<!tpu.dma_semaphore, #tpu.memory_space<semaphore_mem>>) src(%dma_wait3A_420 : memref<1024x16xf32, #tpu.memory_space<hbm>>) dst(%dma_wait3A_417 : memref<1024x16xf32, #tpu.memory_space<vmem>>)
      %add3A_421 = arith.constant 0 : i32
      %add3A_422 = arith.addi %mul3A_289, %add3A_421 : i32
      %mul3A_423 = arith.constant 1024 : i32
      %mul3A_424 = arith.muli %add3A_422, %mul3A_423 : i32
      %add3A_425 = arith.addi %mul3A_6, %mul3A_424 : i32
      %dma_start3A_426 = arith.constant 0 : i32
      %dma_start3A_427 = arith.constant 0 : i32
      %dma_start3A_428 = arith.constant 0 : i32
      %dma_start3A_429 = tpu.memref_slice %arg6[%dma_start3A_426, %dma_start3A_427, %dma_start3A_428] : memref<2x1024x16xf32, #tpu.memory_space<vmem>> -> memref<1x1024x16xf32, #tpu.memory_space<vmem>>
      %dma_start3A_430 = tpu.memref_squeeze %dma_start3A_429 : memref<1x1024x16xf32, #tpu.memory_space<vmem>> -> memref<1024x16xf32, #tpu.memory_space<vmem>>
      %dma_start3A_431 = arith.constant 0 : i32
      %dma_start3A_432 = tpu.memref_slice %arg4[%add3A_425, %dma_start3A_431] : memref<1638400x16xf32, #tpu.memory_space<hbm>> -> memref<1024x16xf32, #tpu.memory_space<hbm>>
      %dma_start3A_433 = arith.constant 0 : i32
      %dma_start3A_434 = tpu.memref_slice %arg4[%add3A_425, %dma_start3A_433] : memref<1638400x16xf32, #tpu.memory_space<hbm>> -> memref<1024x16xf32, #tpu.memory_space<hbm>>
      %dma_start3A_435 = arith.constant 0 : i32
      %dma_start3A_436 = arith.constant 0 : i32
      %dma_start3A_437 = tpu.memref_slice %arg6[%dma_start3A_426, %dma_start3A_435, %dma_start3A_436] : memref<2x1024x16xf32, #tpu.memory_space<vmem>> -> memref<1x1024x16xf32, #tpu.memory_space<vmem>>
      %dma_start3A_438 = tpu.memref_squeeze %dma_start3A_437 : memref<1x1024x16xf32, #tpu.memory_space<vmem>> -> memref<1024x16xf32, #tpu.memory_space<vmem>>
      tpu.enqueue_dma source(%dma_start3A_438 : memref<1024x16xf32, #tpu.memory_space<vmem>>) target(%dma_start3A_434 : memref<1024x16xf32, #tpu.memory_space<hbm>>) target_semaphore(%arg9 : memref<!tpu.dma_semaphore, #tpu.memory_space<semaphore_mem>>)
      %add3A_439 = arith.constant 0 : i32
      %add3A_440 = arith.addi %mul3A_289, %add3A_439 : i32
      %add3A_441 = arith.constant 2 : i32
      %add3A_442 = arith.addi %add3A_440, %add3A_441 : i32
      %min3A_443 = arith.constant 49 : i32
      %min3A_444 = arith.minsi %add3A_442, %min3A_443 : i32
      %mul3A_445 = arith.constant 2 : i32
      %mul3A_446 = arith.muli %min3A_444, %mul3A_445 : i32
      %add3A_447 = arith.addi %add3A_4, %mul3A_446 : i32
      %dma_start3A_448 = arith.constant 0 : i32
      %dma_start3A_449 = arith.constant 0 : i32
      %dma_start3A_450 = arith.constant 0 : i32
      %dma_start3A_451 = tpu.memref_slice %arg5[%dma_start3A_448, %dma_start3A_449, %dma_start3A_450] : memref<2x2x512xi32, #tpu.memory_space<vmem>> -> memref<1x2x512xi32, #tpu.memory_space<vmem>>
      %dma_start3A_452 = tpu.memref_squeeze %dma_start3A_451 : memref<1x2x512xi32, #tpu.memory_space<vmem>> -> memref<2x512xi32, #tpu.memory_space<vmem>>
      %dma_start3A_453 = arith.constant 0 : i32
      %dma_start3A_454 = tpu.memref_slice %arg2[%add3A_447, %dma_start3A_453] : memref<6400x512xi32, #tpu.memory_space<hbm>> -> memref<2x512xi32, #tpu.memory_space<hbm>>
      %dma_start3A_455 = arith.constant 0 : i32
      %dma_start3A_456 = arith.constant 0 : i32
      %dma_start3A_457 = tpu.memref_slice %arg5[%dma_start3A_448, %dma_start3A_455, %dma_start3A_456] : memref<2x2x512xi32, #tpu.memory_space<vmem>> -> memref<1x2x512xi32, #tpu.memory_space<vmem>>
      %dma_start3A_458 = tpu.memref_squeeze %dma_start3A_457 : memref<1x2x512xi32, #tpu.memory_space<vmem>> -> memref<2x512xi32, #tpu.memory_space<vmem>>
      %dma_start3A_459 = arith.constant 0 : i32
      %dma_start3A_460 = tpu.memref_slice %arg2[%add3A_447, %dma_start3A_459] : memref<6400x512xi32, #tpu.memory_space<hbm>> -> memref<2x512xi32, #tpu.memory_space<hbm>>
      tpu.enqueue_dma source(%dma_start3A_460 : memref<2x512xi32, #tpu.memory_space<hbm>>) target(%dma_start3A_458 : memref<2x512xi32, #tpu.memory_space<vmem>>) target_semaphore(%arg11 : memref<!tpu.dma_semaphore, #tpu.memory_space<semaphore_mem>>)
      %dma_wait3A_461 = arith.constant 1 : i32
      %dma_wait3A_462 = arith.constant 0 : i32
      %dma_wait3A_463 = arith.constant 0 : i32
      %dma_wait3A_464 = tpu.memref_slice %arg6[%dma_wait3A_461, %dma_wait3A_462, %dma_wait3A_463] : memref<2x1024x16xf32, #tpu.memory_space<vmem>> -> memref<1x1024x16xf32, #tpu.memory_space<vmem>>
      %dma_wait3A_465 = tpu.memref_squeeze %dma_wait3A_464 : memref<1x1024x16xf32, #tpu.memory_space<vmem>> -> memref<1024x16xf32, #tpu.memory_space<vmem>>
      %dma_wait3A_466 = arith.constant 0 : i32
      %dma_wait3A_467 = arith.constant 0 : i32
      %dma_wait3A_468 = tpu.memref_slice %arg4[%dma_wait3A_466, %dma_wait3A_467] : memref<1638400x16xf32, #tpu.memory_space<hbm>> -> memref<1024x16xf32, #tpu.memory_space<hbm>>
      %dma_wait3A_469 = arith.constant 0 : i32
      %dma_wait3A_470 = arith.constant 0 : i32
      %dma_wait3A_471 = tpu.memref_slice %arg6[%dma_wait3A_461, %dma_wait3A_469, %dma_wait3A_470] : memref<2x1024x16xf32, #tpu.memory_space<vmem>> -> memref<1x1024x16xf32, #tpu.memory_space<vmem>>
      %dma_wait3A_472 = tpu.memref_squeeze %dma_wait3A_471 : memref<1x1024x16xf32, #tpu.memory_space<vmem>> -> memref<1024x16xf32, #tpu.memory_space<vmem>>
      %dma_wait3A_473 = arith.constant 0 : i32
      %dma_wait3A_474 = arith.constant 0 : i32
      %dma_wait3A_475 = tpu.memref_slice %arg4[%dma_wait3A_473, %dma_wait3A_474] : memref<1638400x16xf32, #tpu.memory_space<hbm>> -> memref<1024x16xf32, #tpu.memory_space<hbm>>
      tpu.wait_dma2 semaphore(%arg8 : memref<!tpu.dma_semaphore, #tpu.memory_space<semaphore_mem>>) src(%dma_wait3A_475 : memref<1024x16xf32, #tpu.memory_space<hbm>>) dst(%dma_wait3A_472 : memref<1024x16xf32, #tpu.memory_space<vmem>>)
      %add3A_476 = arith.constant 1 : i32
      %add3A_477 = arith.addi %mul3A_289, %add3A_476 : i32
      %mul3A_478 = arith.constant 1024 : i32
      %mul3A_479 = arith.muli %add3A_477, %mul3A_478 : i32
      %add3A_480 = arith.addi %mul3A_6, %mul3A_479 : i32
      %dma_start3A_481 = arith.constant 1 : i32
      %dma_start3A_482 = arith.constant 0 : i32
      %dma_start3A_483 = arith.constant 0 : i32
      %dma_start3A_484 = tpu.memref_slice %arg6[%dma_start3A_481, %dma_start3A_482, %dma_start3A_483] : memref<2x1024x16xf32, #tpu.memory_space<vmem>> -> memref<1x1024x16xf32, #tpu.memory_space<vmem>>
      %dma_start3A_485 = tpu.memref_squeeze %dma_start3A_484 : memref<1x1024x16xf32, #tpu.memory_space<vmem>> -> memref<1024x16xf32, #tpu.memory_space<vmem>>
      %dma_start3A_486 = arith.constant 0 : i32
      %dma_start3A_487 = tpu.memref_slice %arg4[%add3A_480, %dma_start3A_486] : memref<1638400x16xf32, #tpu.memory_space<hbm>> -> memref<1024x16xf32, #tpu.memory_space<hbm>>
      %dma_start3A_488 = arith.constant 0 : i32
      %dma_start3A_489 = tpu.memref_slice %arg4[%add3A_480, %dma_start3A_488] : memref<1638400x16xf32, #tpu.memory_space<hbm>> -> memref<1024x16xf32, #tpu.memory_space<hbm>>
      %dma_start3A_490 = arith.constant 0 : i32
      %dma_start3A_491 = arith.constant 0 : i32
      %dma_start3A_492 = tpu.memref_slice %arg6[%dma_start3A_481, %dma_start3A_490, %dma_start3A_491] : memref<2x1024x16xf32, #tpu.memory_space<vmem>> -> memref<1x1024x16xf32, #tpu.memory_space<vmem>>
      %dma_start3A_493 = tpu.memref_squeeze %dma_start3A_492 : memref<1x1024x16xf32, #tpu.memory_space<vmem>> -> memref<1024x16xf32, #tpu.memory_space<vmem>>
      tpu.enqueue_dma source(%dma_start3A_493 : memref<1024x16xf32, #tpu.memory_space<vmem>>) target(%dma_start3A_489 : memref<1024x16xf32, #tpu.memory_space<hbm>>) target_semaphore(%arg10 : memref<!tpu.dma_semaphore, #tpu.memory_space<semaphore_mem>>)
      %add3A_494 = arith.constant 1 : i32
      %add3A_495 = arith.addi %mul3A_289, %add3A_494 : i32
      %add3A_496 = arith.constant 2 : i32
      %add3A_497 = arith.addi %add3A_495, %add3A_496 : i32
      %min3A_498 = arith.constant 49 : i32
      %min3A_499 = arith.minsi %add3A_497, %min3A_498 : i32
      %mul3A_500 = arith.constant 2 : i32
      %mul3A_501 = arith.muli %min3A_499, %mul3A_500 : i32
      %add3A_502 = arith.addi %add3A_4, %mul3A_501 : i32
      %dma_start3A_503 = arith.constant 1 : i32
      %dma_start3A_504 = arith.constant 0 : i32
      %dma_start3A_505 = arith.constant 0 : i32
      %dma_start3A_506 = tpu.memref_slice %arg5[%dma_start3A_503, %dma_start3A_504, %dma_start3A_505] : memref<2x2x512xi32, #tpu.memory_space<vmem>> -> memref<1x2x512xi32, #tpu.memory_space<vmem>>
      %dma_start3A_507 = tpu.memref_squeeze %dma_start3A_506 : memref<1x2x512xi32, #tpu.memory_space<vmem>> -> memref<2x512xi32, #tpu.memory_space<vmem>>
      %dma_start3A_508 = arith.constant 0 : i32
      %dma_start3A_509 = tpu.memref_slice %arg2[%add3A_502, %dma_start3A_508] : memref<6400x512xi32, #tpu.memory_space<hbm>> -> memref<2x512xi32, #tpu.memory_space<hbm>>
      %dma_start3A_510 = arith.constant 0 : i32
      %dma_start3A_511 = arith.constant 0 : i32
      %dma_start3A_512 = tpu.memref_slice %arg5[%dma_start3A_503, %dma_start3A_510, %dma_start3A_511] : memref<2x2x512xi32, #tpu.memory_space<vmem>> -> memref<1x2x512xi32, #tpu.memory_space<vmem>>
      %dma_start3A_513 = tpu.memref_squeeze %dma_start3A_512 : memref<1x2x512xi32, #tpu.memory_space<vmem>> -> memref<2x512xi32, #tpu.memory_space<vmem>>
      %dma_start3A_514 = arith.constant 0 : i32
      %dma_start3A_515 = tpu.memref_slice %arg2[%add3A_502, %dma_start3A_514] : memref<6400x512xi32, #tpu.memory_space<hbm>> -> memref<2x512xi32, #tpu.memory_space<hbm>>
      tpu.enqueue_dma source(%dma_start3A_515 : memref<2x512xi32, #tpu.memory_space<hbm>>) target(%dma_start3A_513 : memref<2x512xi32, #tpu.memory_space<vmem>>) target_semaphore(%arg12 : memref<!tpu.dma_semaphore, #tpu.memory_space<semaphore_mem>>)
    }
    %scan3A_226 = arith.constant 24 : i32
    %dma_wait3A_227 = arith.constant 0 : i32
    %dma_wait3A_228 = arith.constant 0 : i32
    %dma_wait3A_229 = arith.constant 0 : i32
    %dma_wait3A_230 = tpu.memref_slice %arg6[%dma_wait3A_227, %dma_wait3A_228, %dma_wait3A_229] : memref<2x1024x16xf32, #tpu.memory_space<vmem>> -> memref<1x1024x16xf32, #tpu.memory_space<vmem>>
    %dma_wait3A_231 = tpu.memref_squeeze %dma_wait3A_230 : memref<1x1024x16xf32, #tpu.memory_space<vmem>> -> memref<1024x16xf32, #tpu.memory_space<vmem>>
    %dma_wait3A_232 = arith.constant 0 : i32
    %dma_wait3A_233 = arith.constant 0 : i32
    %dma_wait3A_234 = tpu.memref_slice %arg4[%dma_wait3A_232, %dma_wait3A_233] : memref<1638400x16xf32, #tpu.memory_space<hbm>> -> memref<1024x16xf32, #tpu.memory_space<hbm>>
    %dma_wait3A_235 = arith.constant 0 : i32
    %dma_wait3A_236 = arith.constant 0 : i32
    %dma_wait3A_237 = tpu.memref_slice %arg4[%dma_wait3A_235, %dma_wait3A_236] : memref<1638400x16xf32, #tpu.memory_space<hbm>> -> memref<1024x16xf32, #tpu.memory_space<hbm>>
    %dma_wait3A_238 = arith.constant 0 : i32
    %dma_wait3A_239 = arith.constant 0 : i32
    %dma_wait3A_240 = tpu.memref_slice %arg6[%dma_wait3A_227, %dma_wait3A_238, %dma_wait3A_239] : memref<2x1024x16xf32, #tpu.memory_space<vmem>> -> memref<1x1024x16xf32, #tpu.memory_space<vmem>>
    %dma_wait3A_241 = tpu.memref_squeeze %dma_wait3A_240 : memref<1x1024x16xf32, #tpu.memory_space<vmem>> -> memref<1024x16xf32, #tpu.memory_space<vmem>>
    tpu.wait_dma2 semaphore(%arg9 : memref<!tpu.dma_semaphore, #tpu.memory_space<semaphore_mem>>) src(%dma_wait3A_241 : memref<1024x16xf32, #tpu.memory_space<vmem>>) dst(%dma_wait3A_237 : memref<1024x16xf32, #tpu.memory_space<hbm>>)
    %dma_wait3A_242 = arith.constant 0 : i32
    %dma_wait3A_243 = arith.constant 0 : i32
    %dma_wait3A_244 = arith.constant 0 : i32
    %dma_wait3A_245 = tpu.memref_slice %arg5[%dma_wait3A_242, %dma_wait3A_243, %dma_wait3A_244] : memref<2x2x512xi32, #tpu.memory_space<vmem>> -> memref<1x2x512xi32, #tpu.memory_space<vmem>>
    %dma_wait3A_246 = tpu.memref_squeeze %dma_wait3A_245 : memref<1x2x512xi32, #tpu.memory_space<vmem>> -> memref<2x512xi32, #tpu.memory_space<vmem>>
    %dma_wait3A_247 = arith.constant 0 : i32
    %dma_wait3A_248 = arith.constant 0 : i32
    %dma_wait3A_249 = tpu.memref_slice %arg2[%dma_wait3A_247, %dma_wait3A_248] : memref<6400x512xi32, #tpu.memory_space<hbm>> -> memref<2x512xi32, #tpu.memory_space<hbm>>
    %dma_wait3A_250 = arith.constant 0 : i32
    %dma_wait3A_251 = arith.constant 0 : i32
    %dma_wait3A_252 = tpu.memref_slice %arg5[%dma_wait3A_242, %dma_wait3A_250, %dma_wait3A_251] : memref<2x2x512xi32, #tpu.memory_space<vmem>> -> memref<1x2x512xi32, #tpu.memory_space<vmem>>
    %dma_wait3A_253 = tpu.memref_squeeze %dma_wait3A_252 : memref<1x2x512xi32, #tpu.memory_space<vmem>> -> memref<2x512xi32, #tpu.memory_space<vmem>>
    %dma_wait3A_254 = arith.constant 0 : i32
    %dma_wait3A_255 = arith.constant 0 : i32
    %dma_wait3A_256 = tpu.memref_slice %arg2[%dma_wait3A_254, %dma_wait3A_255] : memref<6400x512xi32, #tpu.memory_space<hbm>> -> memref<2x512xi32, #tpu.memory_space<hbm>>
    tpu.wait_dma2 semaphore(%arg11 : memref<!tpu.dma_semaphore, #tpu.memory_space<semaphore_mem>>) src(%dma_wait3A_256 : memref<2x512xi32, #tpu.memory_space<hbm>>) dst(%dma_wait3A_253 : memref<2x512xi32, #tpu.memory_space<vmem>>)
    %dma_wait3A_257 = arith.constant 1 : i32
    %dma_wait3A_258 = arith.constant 0 : i32
    %dma_wait3A_259 = arith.constant 0 : i32
    %dma_wait3A_260 = tpu.memref_slice %arg6[%dma_wait3A_257, %dma_wait3A_258, %dma_wait3A_259] : memref<2x1024x16xf32, #tpu.memory_space<vmem>> -> memref<1x1024x16xf32, #tpu.memory_space<vmem>>
    %dma_wait3A_261 = tpu.memref_squeeze %dma_wait3A_260 : memref<1x1024x16xf32, #tpu.memory_space<vmem>> -> memref<1024x16xf32, #tpu.memory_space<vmem>>
    %dma_wait3A_262 = arith.constant 0 : i32
    %dma_wait3A_263 = arith.constant 0 : i32
    %dma_wait3A_264 = tpu.memref_slice %arg4[%dma_wait3A_262, %dma_wait3A_263] : memref<1638400x16xf32, #tpu.memory_space<hbm>> -> memref<1024x16xf32, #tpu.memory_space<hbm>>
    %dma_wait3A_265 = arith.constant 0 : i32
    %dma_wait3A_266 = arith.constant 0 : i32
    %dma_wait3A_267 = tpu.memref_slice %arg4[%dma_wait3A_265, %dma_wait3A_266] : memref<1638400x16xf32, #tpu.memory_space<hbm>> -> memref<1024x16xf32, #tpu.memory_space<hbm>>
    %dma_wait3A_268 = arith.constant 0 : i32
    %dma_wait3A_269 = arith.constant 0 : i32
    %dma_wait3A_270 = tpu.memref_slice %arg6[%dma_wait3A_257, %dma_wait3A_268, %dma_wait3A_269] : memref<2x1024x16xf32, #tpu.memory_space<vmem>> -> memref<1x1024x16xf32, #tpu.memory_space<vmem>>
    %dma_wait3A_271 = tpu.memref_squeeze %dma_wait3A_270 : memref<1x1024x16xf32, #tpu.memory_space<vmem>> -> memref<1024x16xf32, #tpu.memory_space<vmem>>
    tpu.wait_dma2 semaphore(%arg10 : memref<!tpu.dma_semaphore, #tpu.memory_space<semaphore_mem>>) src(%dma_wait3A_271 : memref<1024x16xf32, #tpu.memory_space<vmem>>) dst(%dma_wait3A_267 : memref<1024x16xf32, #tpu.memory_space<hbm>>)
    %dma_wait3A_272 = arith.constant 1 : i32
    %dma_wait3A_273 = arith.constant 0 : i32
    %dma_wait3A_274 = arith.constant 0 : i32
    %dma_wait3A_275 = tpu.memref_slice %arg5[%dma_wait3A_272, %dma_wait3A_273, %dma_wait3A_274] : memref<2x2x512xi32, #tpu.memory_space<vmem>> -> memref<1x2x512xi32, #tpu.memory_space<vmem>>
    %dma_wait3A_276 = tpu.memref_squeeze %dma_wait3A_275 : memref<1x2x512xi32, #tpu.memory_space<vmem>> -> memref<2x512xi32, #tpu.memory_space<vmem>>
    %dma_wait3A_277 = arith.constant 0 : i32
    %dma_wait3A_278 = arith.constant 0 : i32
    %dma_wait3A_279 = tpu.memref_slice %arg2[%dma_wait3A_277, %dma_wait3A_278] : memref<6400x512xi32, #tpu.memory_space<hbm>> -> memref<2x512xi32, #tpu.memory_space<hbm>>
    %dma_wait3A_280 = arith.constant 0 : i32
    %dma_wait3A_281 = arith.constant 0 : i32
    %dma_wait3A_282 = tpu.memref_slice %arg5[%dma_wait3A_272, %dma_wait3A_280, %dma_wait3A_281] : memref<2x2x512xi32, #tpu.memory_space<vmem>> -> memref<1x2x512xi32, #tpu.memory_space<vmem>>
    %dma_wait3A_283 = tpu.memref_squeeze %dma_wait3A_282 : memref<1x2x512xi32, #tpu.memory_space<vmem>> -> memref<2x512xi32, #tpu.memory_space<vmem>>
    %dma_wait3A_284 = arith.constant 0 : i32
    %dma_wait3A_285 = arith.constant 0 : i32
    %dma_wait3A_286 = tpu.memref_slice %arg2[%dma_wait3A_284, %dma_wait3A_285] : memref<6400x512xi32, #tpu.memory_space<hbm>> -> memref<2x512xi32, #tpu.memory_space<hbm>>
    tpu.wait_dma2 semaphore(%arg12 : memref<!tpu.dma_semaphore, #tpu.memory_space<semaphore_mem>>) src(%dma_wait3A_286 : memref<2x512xi32, #tpu.memory_space<hbm>>) dst(%dma_wait3A_283 : memref<2x512xi32, #tpu.memory_space<vmem>>)
    return
  }
}

#map = affine_map<(d0, d1) -> (0, 0)>
module attributes {stable_mosaic.version = 14 : i64} {
  func.func @k(%arg0: i32, %arg1: i32, %arg2: memref<6400x512xi32, #tpu.memory_space<hbm>>, %arg3: memref<1000000x16xf32, #tpu.memory_space<hbm>>, %arg4: memref<1638400x16xf32, #tpu.memory_space<hbm>>, %arg5: memref<2x2x512xi32, #tpu.memory_space<vmem>>, %arg6: memref<2x1024x16xf32, #tpu.memory_space<vmem>>, %arg7: memref<!tpu.dma_semaphore, #tpu.memory_space<semaphore_mem>>, %arg8: memref<!tpu.dma_semaphore, #tpu.memory_space<semaphore_mem>>, %arg9: memref<!tpu.dma_semaphore, #tpu.memory_space<semaphore_mem>>, %arg10: memref<!tpu.dma_semaphore, #tpu.memory_space<semaphore_mem>>, %arg11: memref<!tpu.dma_semaphore, #tpu.memory_space<semaphore_mem>>, %arg12: memref<!tpu.dma_semaphore, #tpu.memory_space<semaphore_mem>>) attributes {dimension_semantics = [#tpu.dimension_semantics<core_parallel>, #tpu.dimension_semantics<subcore_parallel>], iteration_bounds = array<i64: 2, 16>, scalar_prefetch = 0 : i64, scratch_operands = 8 : i64, tpu.core_type = #tpu.core_type<sc_vector_subcore>, window_params = [{transform_indices = #map}, {transform_indices = #map}, {transform_indices = #map}]} {
    %mul3A = arith.constant 2 : i32
    %mul3A_0 = arith.muli %arg1, %mul3A : i32
    %add3A = arith.addi %mul3A_0, %arg0 : i32
    %mul3A_1 = arith.constant 100 : i32
    %mul3A_2 = arith.muli %add3A, %mul3A_1 : i32
    %add3A_3 = arith.constant 0 : i32
    %add3A_4 = arith.addi %add3A_3, %mul3A_2 : i32
    %mul3A_5 = arith.constant 51200 : i32
    %mul3A_6 = arith.muli %add3A, %mul3A_5 : i32
    %min3A = arith.constant 0 : i32
    %min3A_7 = arith.constant 49 : i32
    %min3A_8 = arith.minsi %min3A, %min3A_7 : i32
    %mul3A_9 = arith.constant 2 : i32
    %mul3A_10 = arith.muli %min3A_8, %mul3A_9 : i32
    %add3A_11 = arith.addi %add3A_4, %mul3A_10 : i32
    %dma_start3A = arith.constant 0 : i32
    %dma_start3A_12 = arith.constant 0 : i32
    %dma_start3A_13 = arith.constant 0 : i32
    %dma_start3A_14 = tpu.memref_slice %arg5[%dma_start3A, %dma_start3A_12, %dma_start3A_13] : memref<2x2x512xi32, #tpu.memory_space<vmem>> -> memref<1x2x512xi32, #tpu.memory_space<vmem>>
    %dma_start3A_15 = tpu.memref_squeeze %dma_start3A_14 : memref<1x2x512xi32, #tpu.memory_space<vmem>> -> memref<2x512xi32, #tpu.memory_space<vmem>>
    %dma_start3A_16 = arith.constant 0 : i32
    %dma_start3A_17 = tpu.memref_slice %arg2[%add3A_11, %dma_start3A_16] : memref<6400x512xi32, #tpu.memory_space<hbm>> -> memref<2x512xi32, #tpu.memory_space<hbm>>
    %dma_start3A_18 = arith.constant 0 : i32
    %dma_start3A_19 = arith.constant 0 : i32
    %dma_start3A_20 = tpu.memref_slice %arg5[%dma_start3A, %dma_start3A_18, %dma_start3A_19] : memref<2x2x512xi32, #tpu.memory_space<vmem>> -> memref<1x2x512xi32, #tpu.memory_space<vmem>>
    %dma_start3A_21 = tpu.memref_squeeze %dma_start3A_20 : memref<1x2x512xi32, #tpu.memory_space<vmem>> -> memref<2x512xi32, #tpu.memory_space<vmem>>
    %dma_start3A_22 = arith.constant 0 : i32
    %dma_start3A_23 = tpu.memref_slice %arg2[%add3A_11, %dma_start3A_22] : memref<6400x512xi32, #tpu.memory_space<hbm>> -> memref<2x512xi32, #tpu.memory_space<hbm>>
    tpu.enqueue_dma source(%dma_start3A_23 : memref<2x512xi32, #tpu.memory_space<hbm>>) target(%dma_start3A_21 : memref<2x512xi32, #tpu.memory_space<vmem>>) target_semaphore(%arg11 : memref<!tpu.dma_semaphore, #tpu.memory_space<semaphore_mem>>)
    %min3A_24 = arith.constant 1 : i32
    %min3A_25 = arith.constant 49 : i32
    %min3A_26 = arith.minsi %min3A_24, %min3A_25 : i32
    %mul3A_27 = arith.constant 2 : i32
    %mul3A_28 = arith.muli %min3A_26, %mul3A_27 : i32
    %add3A_29 = arith.addi %add3A_4, %mul3A_28 : i32
    %dma_start3A_30 = arith.constant 1 : i32
    %dma_start3A_31 = arith.constant 0 : i32
    %dma_start3A_32 = arith.constant 0 : i32
    %dma_start3A_33 = tpu.memref_slice %arg5[%dma_start3A_30, %dma_start3A_31, %dma_start3A_32] : memref<2x2x512xi32, #tpu.memory_space<vmem>> -> memref<1x2x512xi32, #tpu.memory_space<vmem>>
    %dma_start3A_34 = tpu.memref_squeeze %dma_start3A_33 : memref<1x2x512xi32, #tpu.memory_space<vmem>> -> memref<2x512xi32, #tpu.memory_space<vmem>>
    %dma_start3A_35 = arith.constant 0 : i32
    %dma_start3A_36 = tpu.memref_slice %arg2[%add3A_29, %dma_start3A_35] : memref<6400x512xi32, #tpu.memory_space<hbm>> -> memref<2x512xi32, #tpu.memory_space<hbm>>
    %dma_start3A_37 = arith.constant 0 : i32
    %dma_start3A_38 = arith.constant 0 : i32
    %dma_start3A_39 = tpu.memref_slice %arg5[%dma_start3A_30, %dma_start3A_37, %dma_start3A_38] : memref<2x2x512xi32, #tpu.memory_space<vmem>> -> memref<1x2x512xi32, #tpu.memory_space<vmem>>
    %dma_start3A_40 = tpu.memref_squeeze %dma_start3A_39 : memref<1x2x512xi32, #tpu.memory_space<vmem>> -> memref<2x512xi32, #tpu.memory_space<vmem>>
    %dma_start3A_41 = arith.constant 0 : i32
    %dma_start3A_42 = tpu.memref_slice %arg2[%add3A_29, %dma_start3A_41] : memref<6400x512xi32, #tpu.memory_space<hbm>> -> memref<2x512xi32, #tpu.memory_space<hbm>>
    tpu.enqueue_dma source(%dma_start3A_42 : memref<2x512xi32, #tpu.memory_space<hbm>>) target(%dma_start3A_40 : memref<2x512xi32, #tpu.memory_space<vmem>>) target_semaphore(%arg12 : memref<!tpu.dma_semaphore, #tpu.memory_space<semaphore_mem>>)
    %dma_wait3A = arith.constant 0 : i32
    %dma_wait3A_43 = arith.constant 0 : i32
    %dma_wait3A_44 = arith.constant 0 : i32
    %dma_wait3A_45 = tpu.memref_slice %arg5[%dma_wait3A, %dma_wait3A_43, %dma_wait3A_44] : memref<2x2x512xi32, #tpu.memory_space<vmem>> -> memref<1x2x512xi32, #tpu.memory_space<vmem>>
    %dma_wait3A_46 = tpu.memref_squeeze %dma_wait3A_45 : memref<1x2x512xi32, #tpu.memory_space<vmem>> -> memref<2x512xi32, #tpu.memory_space<vmem>>
    %dma_wait3A_47 = arith.constant 0 : i32
    %dma_wait3A_48 = arith.constant 0 : i32
    %dma_wait3A_49 = tpu.memref_slice %arg2[%dma_wait3A_47, %dma_wait3A_48] : memref<6400x512xi32, #tpu.memory_space<hbm>> -> memref<2x512xi32, #tpu.memory_space<hbm>>
    %dma_wait3A_50 = arith.constant 0 : i32
    %dma_wait3A_51 = arith.constant 0 : i32
    %dma_wait3A_52 = tpu.memref_slice %arg5[%dma_wait3A, %dma_wait3A_50, %dma_wait3A_51] : memref<2x2x512xi32, #tpu.memory_space<vmem>> -> memref<1x2x512xi32, #tpu.memory_space<vmem>>
    %dma_wait3A_53 = tpu.memref_squeeze %dma_wait3A_52 : memref<1x2x512xi32, #tpu.memory_space<vmem>> -> memref<2x512xi32, #tpu.memory_space<vmem>>
    %dma_wait3A_54 = arith.constant 0 : i32
    %dma_wait3A_55 = arith.constant 0 : i32
    %dma_wait3A_56 = tpu.memref_slice %arg2[%dma_wait3A_54, %dma_wait3A_55] : memref<6400x512xi32, #tpu.memory_space<hbm>> -> memref<2x512xi32, #tpu.memory_space<hbm>>
    tpu.wait_dma2 semaphore(%arg11 : memref<!tpu.dma_semaphore, #tpu.memory_space<semaphore_mem>>) src(%dma_wait3A_56 : memref<2x512xi32, #tpu.memory_space<hbm>>) dst(%dma_wait3A_53 : memref<2x512xi32, #tpu.memory_space<vmem>>)
    %dma_start3A_57 = arith.constant 0 : i32
    %dma_start3A_58 = arith.constant 0 : i32
    %dma_start3A_59 = arith.constant 0 : i32
    %dma_start3A_60 = arith.constant 0 : i32
    %dma_start3A_61 = arith.constant 0 : i32
    %dma_start3A_62 = tpu.memref_slice %arg6[%dma_start3A_59, %dma_start3A_60, %dma_start3A_61] : memref<2x1024x16xf32, #tpu.memory_space<vmem>> -> memref<1x512x16xf32, #tpu.memory_space<vmem>>
    %dma_start3A_63 = tpu.memref_squeeze %dma_start3A_62 : memref<1x512x16xf32, #tpu.memory_space<vmem>> -> memref<512x16xf32, #tpu.memory_space<vmem>>
    %dma_start3A_64 = arith.constant 0 : i32
    %dma_start3A_65 = tpu.memref_slice %arg5[%dma_start3A_57, %dma_start3A_58, %dma_start3A_64] : memref<2x2x512xi32, #tpu.memory_space<vmem>> -> memref<1x1x512xi32, #tpu.memory_space<vmem>>
    %dma_start3A_66 = tpu.memref_squeeze %dma_start3A_65 : memref<1x1x512xi32, #tpu.memory_space<vmem>> -> memref<512xi32, #tpu.memory_space<vmem>>
    %dma_start3A_67 = arith.constant 0 : i32
    %dma_start3A_68 = arith.constant 0 : i32
    %dma_start3A_69 = tpu.memref_slice %arg3[%dma_start3A_67, %dma_start3A_68] : memref<1000000x16xf32, #tpu.memory_space<hbm>> -> memref<1000000x16xf32, #tpu.memory_space<hbm>>
    tpu.enqueue_indirect_dma source(%dma_start3A_69 : memref<1000000x16xf32, #tpu.memory_space<hbm>>) target(%dma_start3A_63 : memref<512x16xf32, #tpu.memory_space<vmem>>) offsets(%dma_start3A_66 : memref<512xi32, #tpu.memory_space<vmem>>) semaphore(%arg7 : memref<!tpu.dma_semaphore, #tpu.memory_space<semaphore_mem>>)
    %dma_start3A_70 = arith.constant 0 : i32
    %dma_start3A_71 = arith.constant 1 : i32
    %dma_start3A_72 = arith.constant 0 : i32
    %dma_start3A_73 = arith.constant 512 : i32
    %dma_start3A_74 = arith.constant 0 : i32
    %dma_start3A_75 = tpu.memref_slice %arg6[%dma_start3A_72, %dma_start3A_73, %dma_start3A_74] : memref<2x1024x16xf32, #tpu.memory_space<vmem>> -> memref<1x512x16xf32, #tpu.memory_space<vmem>>
    %dma_start3A_76 = tpu.memref_squeeze %dma_start3A_75 : memref<1x512x16xf32, #tpu.memory_space<vmem>> -> memref<512x16xf32, #tpu.memory_space<vmem>>
    %dma_start3A_77 = arith.constant 0 : i32
    %dma_start3A_78 = tpu.memref_slice %arg5[%dma_start3A_70, %dma_start3A_71, %dma_start3A_77] : memref<2x2x512xi32, #tpu.memory_space<vmem>> -> memref<1x1x512xi32, #tpu.memory_space<vmem>>
    %dma_start3A_79 = tpu.memref_squeeze %dma_start3A_78 : memref<1x1x512xi32, #tpu.memory_space<vmem>> -> memref<512xi32, #tpu.memory_space<vmem>>
    %dma_start3A_80 = arith.constant 0 : i32
    %dma_start3A_81 = arith.constant 0 : i32
    %dma_start3A_82 = tpu.memref_slice %arg3[%dma_start3A_80, %dma_start3A_81] : memref<1000000x16xf32, #tpu.memory_space<hbm>> -> memref<1000000x16xf32, #tpu.memory_space<hbm>>
    tpu.enqueue_indirect_dma source(%dma_start3A_82 : memref<1000000x16xf32, #tpu.memory_space<hbm>>) target(%dma_start3A_76 : memref<512x16xf32, #tpu.memory_space<vmem>>) offsets(%dma_start3A_79 : memref<512xi32, #tpu.memory_space<vmem>>) semaphore(%arg7 : memref<!tpu.dma_semaphore, #tpu.memory_space<semaphore_mem>>)
    %dma_wait3A_83 = arith.constant 1 : i32
    %dma_wait3A_84 = arith.constant 0 : i32
    %dma_wait3A_85 = arith.constant 0 : i32
    %dma_wait3A_86 = tpu.memref_slice %arg5[%dma_wait3A_83, %dma_wait3A_84, %dma_wait3A_85] : memref<2x2x512xi32, #tpu.memory_space<vmem>> -> memref<1x2x512xi32, #tpu.memory_space<vmem>>
    %dma_wait3A_87 = tpu.memref_squeeze %dma_wait3A_86 : memref<1x2x512xi32, #tpu.memory_space<vmem>> -> memref<2x512xi32, #tpu.memory_space<vmem>>
    %dma_wait3A_88 = arith.constant 0 : i32
    %dma_wait3A_89 = arith.constant 0 : i32
    %dma_wait3A_90 = tpu.memref_slice %arg2[%dma_wait3A_88, %dma_wait3A_89] : memref<6400x512xi32, #tpu.memory_space<hbm>> -> memref<2x512xi32, #tpu.memory_space<hbm>>
    %dma_wait3A_91 = arith.constant 0 : i32
    %dma_wait3A_92 = arith.constant 0 : i32
    %dma_wait3A_93 = tpu.memref_slice %arg5[%dma_wait3A_83, %dma_wait3A_91, %dma_wait3A_92] : memref<2x2x512xi32, #tpu.memory_space<vmem>> -> memref<1x2x512xi32, #tpu.memory_space<vmem>>
    %dma_wait3A_94 = tpu.memref_squeeze %dma_wait3A_93 : memref<1x2x512xi32, #tpu.memory_space<vmem>> -> memref<2x512xi32, #tpu.memory_space<vmem>>
    %dma_wait3A_95 = arith.constant 0 : i32
    %dma_wait3A_96 = arith.constant 0 : i32
    %dma_wait3A_97 = tpu.memref_slice %arg2[%dma_wait3A_95, %dma_wait3A_96] : memref<6400x512xi32, #tpu.memory_space<hbm>> -> memref<2x512xi32, #tpu.memory_space<hbm>>
    tpu.wait_dma2 semaphore(%arg12 : memref<!tpu.dma_semaphore, #tpu.memory_space<semaphore_mem>>) src(%dma_wait3A_97 : memref<2x512xi32, #tpu.memory_space<hbm>>) dst(%dma_wait3A_94 : memref<2x512xi32, #tpu.memory_space<vmem>>)
    %dma_start3A_98 = arith.constant 1 : i32
    %dma_start3A_99 = arith.constant 0 : i32
    %dma_start3A_100 = arith.constant 1 : i32
    %dma_start3A_101 = arith.constant 0 : i32
    %dma_start3A_102 = arith.constant 0 : i32
    %dma_start3A_103 = tpu.memref_slice %arg6[%dma_start3A_100, %dma_start3A_101, %dma_start3A_102] : memref<2x1024x16xf32, #tpu.memory_space<vmem>> -> memref<1x512x16xf32, #tpu.memory_space<vmem>>
    %dma_start3A_104 = tpu.memref_squeeze %dma_start3A_103 : memref<1x512x16xf32, #tpu.memory_space<vmem>> -> memref<512x16xf32, #tpu.memory_space<vmem>>
    %dma_start3A_105 = arith.constant 0 : i32
    %dma_start3A_106 = tpu.memref_slice %arg5[%dma_start3A_98, %dma_start3A_99, %dma_start3A_105] : memref<2x2x512xi32, #tpu.memory_space<vmem>> -> memref<1x1x512xi32, #tpu.memory_space<vmem>>
    %dma_start3A_107 = tpu.memref_squeeze %dma_start3A_106 : memref<1x1x512xi32, #tpu.memory_space<vmem>> -> memref<512xi32, #tpu.memory_space<vmem>>
    %dma_start3A_108 = arith.constant 0 : i32
    %dma_start3A_109 = arith.constant 0 : i32
    %dma_start3A_110 = tpu.memref_slice %arg3[%dma_start3A_108, %dma_start3A_109] : memref<1000000x16xf32, #tpu.memory_space<hbm>> -> memref<1000000x16xf32, #tpu.memory_space<hbm>>
    tpu.enqueue_indirect_dma source(%dma_start3A_110 : memref<1000000x16xf32, #tpu.memory_space<hbm>>) target(%dma_start3A_104 : memref<512x16xf32, #tpu.memory_space<vmem>>) offsets(%dma_start3A_107 : memref<512xi32, #tpu.memory_space<vmem>>) semaphore(%arg8 : memref<!tpu.dma_semaphore, #tpu.memory_space<semaphore_mem>>)
    %dma_start3A_111 = arith.constant 1 : i32
    %dma_start3A_112 = arith.constant 1 : i32
    %dma_start3A_113 = arith.constant 1 : i32
    %dma_start3A_114 = arith.constant 512 : i32
    %dma_start3A_115 = arith.constant 0 : i32
    %dma_start3A_116 = tpu.memref_slice %arg6[%dma_start3A_113, %dma_start3A_114, %dma_start3A_115] : memref<2x1024x16xf32, #tpu.memory_space<vmem>> -> memref<1x512x16xf32, #tpu.memory_space<vmem>>
    %dma_start3A_117 = tpu.memref_squeeze %dma_start3A_116 : memref<1x512x16xf32, #tpu.memory_space<vmem>> -> memref<512x16xf32, #tpu.memory_space<vmem>>
    %dma_start3A_118 = arith.constant 0 : i32
    %dma_start3A_119 = tpu.memref_slice %arg5[%dma_start3A_111, %dma_start3A_112, %dma_start3A_118] : memref<2x2x512xi32, #tpu.memory_space<vmem>> -> memref<1x1x512xi32, #tpu.memory_space<vmem>>
    %dma_start3A_120 = tpu.memref_squeeze %dma_start3A_119 : memref<1x1x512xi32, #tpu.memory_space<vmem>> -> memref<512xi32, #tpu.memory_space<vmem>>
    %dma_start3A_121 = arith.constant 0 : i32
    %dma_start3A_122 = arith.constant 0 : i32
    %dma_start3A_123 = tpu.memref_slice %arg3[%dma_start3A_121, %dma_start3A_122] : memref<1000000x16xf32, #tpu.memory_space<hbm>> -> memref<1000000x16xf32, #tpu.memory_space<hbm>>
    tpu.enqueue_indirect_dma source(%dma_start3A_123 : memref<1000000x16xf32, #tpu.memory_space<hbm>>) target(%dma_start3A_117 : memref<512x16xf32, #tpu.memory_space<vmem>>) offsets(%dma_start3A_120 : memref<512xi32, #tpu.memory_space<vmem>>) semaphore(%arg8 : memref<!tpu.dma_semaphore, #tpu.memory_space<semaphore_mem>>)
    %dma_wait3A_124 = arith.constant 0 : i32
    %dma_wait3A_125 = arith.constant 0 : i32
    %dma_wait3A_126 = arith.constant 0 : i32
    %dma_wait3A_127 = tpu.memref_slice %arg6[%dma_wait3A_124, %dma_wait3A_125, %dma_wait3A_126] : memref<2x1024x16xf32, #tpu.memory_space<vmem>> -> memref<1x1024x16xf32, #tpu.memory_space<vmem>>
    %dma_wait3A_128 = tpu.memref_squeeze %dma_wait3A_127 : memref<1x1024x16xf32, #tpu.memory_space<vmem>> -> memref<1024x16xf32, #tpu.memory_space<vmem>>
    %dma_wait3A_129 = arith.constant 0 : i32
    %dma_wait3A_130 = arith.constant 0 : i32
    %dma_wait3A_131 = tpu.memref_slice %arg4[%dma_wait3A_129, %dma_wait3A_130] : memref<1638400x16xf32, #tpu.memory_space<hbm>> -> memref<1024x16xf32, #tpu.memory_space<hbm>>
    %dma_wait3A_132 = arith.constant 0 : i32
    %dma_wait3A_133 = arith.constant 0 : i32
    %dma_wait3A_134 = tpu.memref_slice %arg6[%dma_wait3A_124, %dma_wait3A_132, %dma_wait3A_133] : memref<2x1024x16xf32, #tpu.memory_space<vmem>> -> memref<1x1024x16xf32, #tpu.memory_space<vmem>>
    %dma_wait3A_135 = tpu.memref_squeeze %dma_wait3A_134 : memref<1x1024x16xf32, #tpu.memory_space<vmem>> -> memref<1024x16xf32, #tpu.memory_space<vmem>>
    %dma_wait3A_136 = arith.constant 0 : i32
    %dma_wait3A_137 = arith.constant 0 : i32
    %dma_wait3A_138 = tpu.memref_slice %arg4[%dma_wait3A_136, %dma_wait3A_137] : memref<1638400x16xf32, #tpu.memory_space<hbm>> -> memref<1024x16xf32, #tpu.memory_space<hbm>>
    tpu.wait_dma2 semaphore(%arg7 : memref<!tpu.dma_semaphore, #tpu.memory_space<semaphore_mem>>) src(%dma_wait3A_138 : memref<1024x16xf32, #tpu.memory_space<hbm>>) dst(%dma_wait3A_135 : memref<1024x16xf32, #tpu.memory_space<vmem>>)
    %add3A_139 = arith.constant 0 : i32
    %add3A_140 = arith.addi %mul3A_6, %add3A_139 : i32
    %dma_start3A_141 = arith.constant 0 : i32
    %dma_start3A_142 = arith.constant 0 : i32
    %dma_start3A_143 = arith.constant 0 : i32
    %dma_start3A_144 = tpu.memref_slice %arg6[%dma_start3A_141, %dma_start3A_142, %dma_start3A_143] : memref<2x1024x16xf32, #tpu.memory_space<vmem>> -> memref<1x1024x16xf32, #tpu.memory_space<vmem>>
    %dma_start3A_145 = tpu.memref_squeeze %dma_start3A_144 : memref<1x1024x16xf32, #tpu.memory_space<vmem>> -> memref<1024x16xf32, #tpu.memory_space<vmem>>
    %dma_start3A_146 = arith.constant 0 : i32
    %dma_start3A_147 = tpu.memref_slice %arg4[%add3A_140, %dma_start3A_146] : memref<1638400x16xf32, #tpu.memory_space<hbm>> -> memref<1024x16xf32, #tpu.memory_space<hbm>>
    %dma_start3A_148 = arith.constant 0 : i32
    %dma_start3A_149 = tpu.memref_slice %arg4[%add3A_140, %dma_start3A_148] : memref<1638400x16xf32, #tpu.memory_space<hbm>> -> memref<1024x16xf32, #tpu.memory_space<hbm>>
    %dma_start3A_150 = arith.constant 0 : i32
    %dma_start3A_151 = arith.constant 0 : i32
    %dma_start3A_152 = tpu.memref_slice %arg6[%dma_start3A_141, %dma_start3A_150, %dma_start3A_151] : memref<2x1024x16xf32, #tpu.memory_space<vmem>> -> memref<1x1024x16xf32, #tpu.memory_space<vmem>>
    %dma_start3A_153 = tpu.memref_squeeze %dma_start3A_152 : memref<1x1024x16xf32, #tpu.memory_space<vmem>> -> memref<1024x16xf32, #tpu.memory_space<vmem>>
    tpu.enqueue_dma source(%dma_start3A_153 : memref<1024x16xf32, #tpu.memory_space<vmem>>) target(%dma_start3A_149 : memref<1024x16xf32, #tpu.memory_space<hbm>>) target_semaphore(%arg9 : memref<!tpu.dma_semaphore, #tpu.memory_space<semaphore_mem>>)
    %min3A_154 = arith.constant 2 : i32
    %min3A_155 = arith.constant 49 : i32
    %min3A_156 = arith.minsi %min3A_154, %min3A_155 : i32
    %mul3A_157 = arith.constant 2 : i32
    %mul3A_158 = arith.muli %min3A_156, %mul3A_157 : i32
    %add3A_159 = arith.addi %add3A_4, %mul3A_158 : i32
    %dma_start3A_160 = arith.constant 0 : i32
    %dma_start3A_161 = arith.constant 0 : i32
    %dma_start3A_162 = arith.constant 0 : i32
    %dma_start3A_163 = tpu.memref_slice %arg5[%dma_start3A_160, %dma_start3A_161, %dma_start3A_162] : memref<2x2x512xi32, #tpu.memory_space<vmem>> -> memref<1x2x512xi32, #tpu.memory_space<vmem>>
    %dma_start3A_164 = tpu.memref_squeeze %dma_start3A_163 : memref<1x2x512xi32, #tpu.memory_space<vmem>> -> memref<2x512xi32, #tpu.memory_space<vmem>>
    %dma_start3A_165 = arith.constant 0 : i32
    %dma_start3A_166 = tpu.memref_slice %arg2[%add3A_159, %dma_start3A_165] : memref<6400x512xi32, #tpu.memory_space<hbm>> -> memref<2x512xi32, #tpu.memory_space<hbm>>
    %dma_start3A_167 = arith.constant 0 : i32
    %dma_start3A_168 = arith.constant 0 : i32
    %dma_start3A_169 = tpu.memref_slice %arg5[%dma_start3A_160, %dma_start3A_167, %dma_start3A_168] : memref<2x2x512xi32, #tpu.memory_space<vmem>> -> memref<1x2x512xi32, #tpu.memory_space<vmem>>
    %dma_start3A_170 = tpu.memref_squeeze %dma_start3A_169 : memref<1x2x512xi32, #tpu.memory_space<vmem>> -> memref<2x512xi32, #tpu.memory_space<vmem>>
    %dma_start3A_171 = arith.constant 0 : i32
    %dma_start3A_172 = tpu.memref_slice %arg2[%add3A_159, %dma_start3A_171] : memref<6400x512xi32, #tpu.memory_space<hbm>> -> memref<2x512xi32, #tpu.memory_space<hbm>>
    tpu.enqueue_dma source(%dma_start3A_172 : memref<2x512xi32, #tpu.memory_space<hbm>>) target(%dma_start3A_170 : memref<2x512xi32, #tpu.memory_space<vmem>>) target_semaphore(%arg11 : memref<!tpu.dma_semaphore, #tpu.memory_space<semaphore_mem>>)
    %dma_wait3A_173 = arith.constant 1 : i32
    %dma_wait3A_174 = arith.constant 0 : i32
    %dma_wait3A_175 = arith.constant 0 : i32
    %dma_wait3A_176 = tpu.memref_slice %arg6[%dma_wait3A_173, %dma_wait3A_174, %dma_wait3A_175] : memref<2x1024x16xf32, #tpu.memory_space<vmem>> -> memref<1x1024x16xf32, #tpu.memory_space<vmem>>
    %dma_wait3A_177 = tpu.memref_squeeze %dma_wait3A_176 : memref<1x1024x16xf32, #tpu.memory_space<vmem>> -> memref<1024x16xf32, #tpu.memory_space<vmem>>
    %dma_wait3A_178 = arith.constant 0 : i32
    %dma_wait3A_179 = arith.constant 0 : i32
    %dma_wait3A_180 = tpu.memref_slice %arg4[%dma_wait3A_178, %dma_wait3A_179] : memref<1638400x16xf32, #tpu.memory_space<hbm>> -> memref<1024x16xf32, #tpu.memory_space<hbm>>
    %dma_wait3A_181 = arith.constant 0 : i32
    %dma_wait3A_182 = arith.constant 0 : i32
    %dma_wait3A_183 = tpu.memref_slice %arg6[%dma_wait3A_173, %dma_wait3A_181, %dma_wait3A_182] : memref<2x1024x16xf32, #tpu.memory_space<vmem>> -> memref<1x1024x16xf32, #tpu.memory_space<vmem>>
    %dma_wait3A_184 = tpu.memref_squeeze %dma_wait3A_183 : memref<1x1024x16xf32, #tpu.memory_space<vmem>> -> memref<1024x16xf32, #tpu.memory_space<vmem>>
    %dma_wait3A_185 = arith.constant 0 : i32
    %dma_wait3A_186 = arith.constant 0 : i32
    %dma_wait3A_187 = tpu.memref_slice %arg4[%dma_wait3A_185, %dma_wait3A_186] : memref<1638400x16xf32, #tpu.memory_space<hbm>> -> memref<1024x16xf32, #tpu.memory_space<hbm>>
    tpu.wait_dma2 semaphore(%arg8 : memref<!tpu.dma_semaphore, #tpu.memory_space<semaphore_mem>>) src(%dma_wait3A_187 : memref<1024x16xf32, #tpu.memory_space<hbm>>) dst(%dma_wait3A_184 : memref<1024x16xf32, #tpu.memory_space<vmem>>)
    %add3A_188 = arith.constant 1024 : i32
    %add3A_189 = arith.addi %mul3A_6, %add3A_188 : i32
    %dma_start3A_190 = arith.constant 1 : i32
    %dma_start3A_191 = arith.constant 0 : i32
    %dma_start3A_192 = arith.constant 0 : i32
    %dma_start3A_193 = tpu.memref_slice %arg6[%dma_start3A_190, %dma_start3A_191, %dma_start3A_192] : memref<2x1024x16xf32, #tpu.memory_space<vmem>> -> memref<1x1024x16xf32, #tpu.memory_space<vmem>>
    %dma_start3A_194 = tpu.memref_squeeze %dma_start3A_193 : memref<1x1024x16xf32, #tpu.memory_space<vmem>> -> memref<1024x16xf32, #tpu.memory_space<vmem>>
    %dma_start3A_195 = arith.constant 0 : i32
    %dma_start3A_196 = tpu.memref_slice %arg4[%add3A_189, %dma_start3A_195] : memref<1638400x16xf32, #tpu.memory_space<hbm>> -> memref<1024x16xf32, #tpu.memory_space<hbm>>
    %dma_start3A_197 = arith.constant 0 : i32
    %dma_start3A_198 = tpu.memref_slice %arg4[%add3A_189, %dma_start3A_197] : memref<1638400x16xf32, #tpu.memory_space<hbm>> -> memref<1024x16xf32, #tpu.memory_space<hbm>>
    %dma_start3A_199 = arith.constant 0 : i32
    %dma_start3A_200 = arith.constant 0 : i32
    %dma_start3A_201 = tpu.memref_slice %arg6[%dma_start3A_190, %dma_start3A_199, %dma_start3A_200] : memref<2x1024x16xf32, #tpu.memory_space<vmem>> -> memref<1x1024x16xf32, #tpu.memory_space<vmem>>
    %dma_start3A_202 = tpu.memref_squeeze %dma_start3A_201 : memref<1x1024x16xf32, #tpu.memory_space<vmem>> -> memref<1024x16xf32, #tpu.memory_space<vmem>>
    tpu.enqueue_dma source(%dma_start3A_202 : memref<1024x16xf32, #tpu.memory_space<vmem>>) target(%dma_start3A_198 : memref<1024x16xf32, #tpu.memory_space<hbm>>) target_semaphore(%arg10 : memref<!tpu.dma_semaphore, #tpu.memory_space<semaphore_mem>>)
    %min3A_203 = arith.constant 3 : i32
    %min3A_204 = arith.constant 49 : i32
    %min3A_205 = arith.minsi %min3A_203, %min3A_204 : i32
    %mul3A_206 = arith.constant 2 : i32
    %mul3A_207 = arith.muli %min3A_205, %mul3A_206 : i32
    %add3A_208 = arith.addi %add3A_4, %mul3A_207 : i32
    %dma_start3A_209 = arith.constant 1 : i32
    %dma_start3A_210 = arith.constant 0 : i32
    %dma_start3A_211 = arith.constant 0 : i32
    %dma_start3A_212 = tpu.memref_slice %arg5[%dma_start3A_209, %dma_start3A_210, %dma_start3A_211] : memref<2x2x512xi32, #tpu.memory_space<vmem>> -> memref<1x2x512xi32, #tpu.memory_space<vmem>>
    %dma_start3A_213 = tpu.memref_squeeze %dma_start3A_212 : memref<1x2x512xi32, #tpu.memory_space<vmem>> -> memref<2x512xi32, #tpu.memory_space<vmem>>
    %dma_start3A_214 = arith.constant 0 : i32
    %dma_start3A_215 = tpu.memref_slice %arg2[%add3A_208, %dma_start3A_214] : memref<6400x512xi32, #tpu.memory_space<hbm>> -> memref<2x512xi32, #tpu.memory_space<hbm>>
    %dma_start3A_216 = arith.constant 0 : i32
    %dma_start3A_217 = arith.constant 0 : i32
    %dma_start3A_218 = tpu.memref_slice %arg5[%dma_start3A_209, %dma_start3A_216, %dma_start3A_217] : memref<2x2x512xi32, #tpu.memory_space<vmem>> -> memref<1x2x512xi32, #tpu.memory_space<vmem>>
    %dma_start3A_219 = tpu.memref_squeeze %dma_start3A_218 : memref<1x2x512xi32, #tpu.memory_space<vmem>> -> memref<2x512xi32, #tpu.memory_space<vmem>>
    %dma_start3A_220 = arith.constant 0 : i32
    %dma_start3A_221 = tpu.memref_slice %arg2[%add3A_208, %dma_start3A_220] : memref<6400x512xi32, #tpu.memory_space<hbm>> -> memref<2x512xi32, #tpu.memory_space<hbm>>
    tpu.enqueue_dma source(%dma_start3A_221 : memref<2x512xi32, #tpu.memory_space<hbm>>) target(%dma_start3A_219 : memref<2x512xi32, #tpu.memory_space<vmem>>) target_semaphore(%arg12 : memref<!tpu.dma_semaphore, #tpu.memory_space<semaphore_mem>>)
    %scan3A = arith.constant 0 : i32
    %scan3A_222 = arith.constant 1 : i32
    %scan3A_223 = arith.constant 24 : i32
    %scan3A_224 = arith.addi %scan3A_222, %scan3A_223 : i32
    %scan3A_225 = arith.constant 1 : i32
    scf.for %scan3A_287 = %scan3A_222 to %scan3A_224 step %scan3A_225  : i32 {
      %mul3A_288 = arith.constant 2 : i32
      %mul3A_289 = arith.muli %mul3A_288, %scan3A_287 : i32
      %dma_wait3A_290 = arith.constant 0 : i32
      %dma_wait3A_291 = arith.constant 0 : i32
      %dma_wait3A_292 = arith.constant 0 : i32
      %dma_wait3A_293 = tpu.memref_slice %arg6[%dma_wait3A_290, %dma_wait3A_291, %dma_wait3A_292] : memref<2x1024x16xf32, #tpu.memory_space<vmem>> -> memref<1x1024x16xf32, #tpu.memory_space<vmem>>
      %dma_wait3A_294 = tpu.memref_squeeze %dma_wait3A_293 : memref<1x1024x16xf32, #tpu.memory_space<vmem>> -> memref<1024x16xf32, #tpu.memory_space<vmem>>
      %dma_wait3A_295 = arith.constant 0 : i32
      %dma_wait3A_296 = arith.constant 0 : i32
      %dma_wait3A_297 = tpu.memref_slice %arg4[%dma_wait3A_295, %dma_wait3A_296] : memref<1638400x16xf32, #tpu.memory_space<hbm>> -> memref<1024x16xf32, #tpu.memory_space<hbm>>
      %dma_wait3A_298 = arith.constant 0 : i32
      %dma_wait3A_299 = arith.constant 0 : i32
      %dma_wait3A_300 = tpu.memref_slice %arg4[%dma_wait3A_298, %dma_wait3A_299] : memref<1638400x16xf32, #tpu.memory_space<hbm>> -> memref<1024x16xf32, #tpu.memory_space<hbm>>
      %dma_wait3A_301 = arith.constant 0 : i32
      %dma_wait3A_302 = arith.constant 0 : i32
      %dma_wait3A_303 = tpu.memref_slice %arg6[%dma_wait3A_290, %dma_wait3A_301, %dma_wait3A_302] : memref<2x1024x16xf32, #tpu.memory_space<vmem>> -> memref<1x1024x16xf32, #tpu.memory_space<vmem>>
      %dma_wait3A_304 = tpu.memref_squeeze %dma_wait3A_303 : memref<1x1024x16xf32, #tpu.memory_space<vmem>> -> memref<1024x16xf32, #tpu.memory_space<vmem>>
      tpu.wait_dma2 semaphore(%arg9 : memref<!tpu.dma_semaphore, #tpu.memory_space<semaphore_mem>>) src(%dma_wait3A_304 : memref<1024x16xf32, #tpu.memory_space<vmem>>) dst(%dma_wait3A_300 : memref<1024x16xf32, #tpu.memory_space<hbm>>)
      %dma_wait3A_305 = arith.constant 0 : i32
      %dma_wait3A_306 = arith.constant 0 : i32
      %dma_wait3A_307 = arith.constant 0 : i32
      %dma_wait3A_308 = tpu.memref_slice %arg5[%dma_wait3A_305, %dma_wait3A_306, %dma_wait3A_307] : memref<2x2x512xi32, #tpu.memory_space<vmem>> -> memref<1x2x512xi32, #tpu.memory_space<vmem>>
      %dma_wait3A_309 = tpu.memref_squeeze %dma_wait3A_308 : memref<1x2x512xi32, #tpu.memory_space<vmem>> -> memref<2x512xi32, #tpu.memory_space<vmem>>
      %dma_wait3A_310 = arith.constant 0 : i32
      %dma_wait3A_311 = arith.constant 0 : i32
      %dma_wait3A_312 = tpu.memref_slice %arg2[%dma_wait3A_310, %dma_wait3A_311] : memref<6400x512xi32, #tpu.memory_space<hbm>> -> memref<2x512xi32, #tpu.memory_space<hbm>>
      %dma_wait3A_313 = arith.constant 0 : i32
      %dma_wait3A_314 = arith.constant 0 : i32
      %dma_wait3A_315 = tpu.memref_slice %arg5[%dma_wait3A_305, %dma_wait3A_313, %dma_wait3A_314] : memref<2x2x512xi32, #tpu.memory_space<vmem>> -> memref<1x2x512xi32, #tpu.memory_space<vmem>>
      %dma_wait3A_316 = tpu.memref_squeeze %dma_wait3A_315 : memref<1x2x512xi32, #tpu.memory_space<vmem>> -> memref<2x512xi32, #tpu.memory_space<vmem>>
      %dma_wait3A_317 = arith.constant 0 : i32
      %dma_wait3A_318 = arith.constant 0 : i32
      %dma_wait3A_319 = tpu.memref_slice %arg2[%dma_wait3A_317, %dma_wait3A_318] : memref<6400x512xi32, #tpu.memory_space<hbm>> -> memref<2x512xi32, #tpu.memory_space<hbm>>
      tpu.wait_dma2 semaphore(%arg11 : memref<!tpu.dma_semaphore, #tpu.memory_space<semaphore_mem>>) src(%dma_wait3A_319 : memref<2x512xi32, #tpu.memory_space<hbm>>) dst(%dma_wait3A_316 : memref<2x512xi32, #tpu.memory_space<vmem>>)
      %add3A_320 = arith.constant 0 : i32
      %add3A_321 = arith.addi %mul3A_289, %add3A_320 : i32
      %dma_start3A_322 = arith.constant 0 : i32
      %dma_start3A_323 = arith.constant 0 : i32
      %dma_start3A_324 = arith.constant 0 : i32
      %dma_start3A_325 = arith.constant 0 : i32
      %dma_start3A_326 = arith.constant 0 : i32
      %dma_start3A_327 = tpu.memref_slice %arg6[%dma_start3A_324, %dma_start3A_325, %dma_start3A_326] : memref<2x1024x16xf32, #tpu.memory_space<vmem>> -> memref<1x512x16xf32, #tpu.memory_space<vmem>>
      %dma_start3A_328 = tpu.memref_squeeze %dma_start3A_327 : memref<1x512x16xf32, #tpu.memory_space<vmem>> -> memref<512x16xf32, #tpu.memory_space<vmem>>
      %dma_start3A_329 = arith.constant 0 : i32
      %dma_start3A_330 = tpu.memref_slice %arg5[%dma_start3A_322, %dma_start3A_323, %dma_start3A_329] : memref<2x2x512xi32, #tpu.memory_space<vmem>> -> memref<1x1x512xi32, #tpu.memory_space<vmem>>
      %dma_start3A_331 = tpu.memref_squeeze %dma_start3A_330 : memref<1x1x512xi32, #tpu.memory_space<vmem>> -> memref<512xi32, #tpu.memory_space<vmem>>
      %dma_start3A_332 = arith.constant 0 : i32
      %dma_start3A_333 = arith.constant 0 : i32
      %dma_start3A_334 = tpu.memref_slice %arg3[%dma_start3A_332, %dma_start3A_333] : memref<1000000x16xf32, #tpu.memory_space<hbm>> -> memref<1000000x16xf32, #tpu.memory_space<hbm>>
      tpu.enqueue_indirect_dma source(%dma_start3A_334 : memref<1000000x16xf32, #tpu.memory_space<hbm>>) target(%dma_start3A_328 : memref<512x16xf32, #tpu.memory_space<vmem>>) offsets(%dma_start3A_331 : memref<512xi32, #tpu.memory_space<vmem>>) semaphore(%arg7 : memref<!tpu.dma_semaphore, #tpu.memory_space<semaphore_mem>>)
      %dma_start3A_335 = arith.constant 0 : i32
      %dma_start3A_336 = arith.constant 1 : i32
      %dma_start3A_337 = arith.constant 0 : i32
      %dma_start3A_338 = arith.constant 512 : i32
      %dma_start3A_339 = arith.constant 0 : i32
      %dma_start3A_340 = tpu.memref_slice %arg6[%dma_start3A_337, %dma_start3A_338, %dma_start3A_339] : memref<2x1024x16xf32, #tpu.memory_space<vmem>> -> memref<1x512x16xf32, #tpu.memory_space<vmem>>
      %dma_start3A_341 = tpu.memref_squeeze %dma_start3A_340 : memref<1x512x16xf32, #tpu.memory_space<vmem>> -> memref<512x16xf32, #tpu.memory_space<vmem>>
      %dma_start3A_342 = arith.constant 0 : i32
      %dma_start3A_343 = tpu.memref_slice %arg5[%dma_start3A_335, %dma_start3A_336, %dma_start3A_342] : memref<2x2x512xi32, #tpu.memory_space<vmem>> -> memref<1x1x512xi32, #tpu.memory_space<vmem>>
      %dma_start3A_344 = tpu.memref_squeeze %dma_start3A_343 : memref<1x1x512xi32, #tpu.memory_space<vmem>> -> memref<512xi32, #tpu.memory_space<vmem>>
      %dma_start3A_345 = arith.constant 0 : i32
      %dma_start3A_346 = arith.constant 0 : i32
      %dma_start3A_347 = tpu.memref_slice %arg3[%dma_start3A_345, %dma_start3A_346] : memref<1000000x16xf32, #tpu.memory_space<hbm>> -> memref<1000000x16xf32, #tpu.memory_space<hbm>>
      tpu.enqueue_indirect_dma source(%dma_start3A_347 : memref<1000000x16xf32, #tpu.memory_space<hbm>>) target(%dma_start3A_341 : memref<512x16xf32, #tpu.memory_space<vmem>>) offsets(%dma_start3A_344 : memref<512xi32, #tpu.memory_space<vmem>>) semaphore(%arg7 : memref<!tpu.dma_semaphore, #tpu.memory_space<semaphore_mem>>)
      %dma_wait3A_348 = arith.constant 1 : i32
      %dma_wait3A_349 = arith.constant 0 : i32
      %dma_wait3A_350 = arith.constant 0 : i32
      %dma_wait3A_351 = tpu.memref_slice %arg6[%dma_wait3A_348, %dma_wait3A_349, %dma_wait3A_350] : memref<2x1024x16xf32, #tpu.memory_space<vmem>> -> memref<1x1024x16xf32, #tpu.memory_space<vmem>>
      %dma_wait3A_352 = tpu.memref_squeeze %dma_wait3A_351 : memref<1x1024x16xf32, #tpu.memory_space<vmem>> -> memref<1024x16xf32, #tpu.memory_space<vmem>>
      %dma_wait3A_353 = arith.constant 0 : i32
      %dma_wait3A_354 = arith.constant 0 : i32
      %dma_wait3A_355 = tpu.memref_slice %arg4[%dma_wait3A_353, %dma_wait3A_354] : memref<1638400x16xf32, #tpu.memory_space<hbm>> -> memref<1024x16xf32, #tpu.memory_space<hbm>>
      %dma_wait3A_356 = arith.constant 0 : i32
      %dma_wait3A_357 = arith.constant 0 : i32
      %dma_wait3A_358 = tpu.memref_slice %arg4[%dma_wait3A_356, %dma_wait3A_357] : memref<1638400x16xf32, #tpu.memory_space<hbm>> -> memref<1024x16xf32, #tpu.memory_space<hbm>>
      %dma_wait3A_359 = arith.constant 0 : i32
      %dma_wait3A_360 = arith.constant 0 : i32
      %dma_wait3A_361 = tpu.memref_slice %arg6[%dma_wait3A_348, %dma_wait3A_359, %dma_wait3A_360] : memref<2x1024x16xf32, #tpu.memory_space<vmem>> -> memref<1x1024x16xf32, #tpu.memory_space<vmem>>
      %dma_wait3A_362 = tpu.memref_squeeze %dma_wait3A_361 : memref<1x1024x16xf32, #tpu.memory_space<vmem>> -> memref<1024x16xf32, #tpu.memory_space<vmem>>
      tpu.wait_dma2 semaphore(%arg10 : memref<!tpu.dma_semaphore, #tpu.memory_space<semaphore_mem>>) src(%dma_wait3A_362 : memref<1024x16xf32, #tpu.memory_space<vmem>>) dst(%dma_wait3A_358 : memref<1024x16xf32, #tpu.memory_space<hbm>>)
      %dma_wait3A_363 = arith.constant 1 : i32
      %dma_wait3A_364 = arith.constant 0 : i32
      %dma_wait3A_365 = arith.constant 0 : i32
      %dma_wait3A_366 = tpu.memref_slice %arg5[%dma_wait3A_363, %dma_wait3A_364, %dma_wait3A_365] : memref<2x2x512xi32, #tpu.memory_space<vmem>> -> memref<1x2x512xi32, #tpu.memory_space<vmem>>
      %dma_wait3A_367 = tpu.memref_squeeze %dma_wait3A_366 : memref<1x2x512xi32, #tpu.memory_space<vmem>> -> memref<2x512xi32, #tpu.memory_space<vmem>>
      %dma_wait3A_368 = arith.constant 0 : i32
      %dma_wait3A_369 = arith.constant 0 : i32
      %dma_wait3A_370 = tpu.memref_slice %arg2[%dma_wait3A_368, %dma_wait3A_369] : memref<6400x512xi32, #tpu.memory_space<hbm>> -> memref<2x512xi32, #tpu.memory_space<hbm>>
      %dma_wait3A_371 = arith.constant 0 : i32
      %dma_wait3A_372 = arith.constant 0 : i32
      %dma_wait3A_373 = tpu.memref_slice %arg5[%dma_wait3A_363, %dma_wait3A_371, %dma_wait3A_372] : memref<2x2x512xi32, #tpu.memory_space<vmem>> -> memref<1x2x512xi32, #tpu.memory_space<vmem>>
      %dma_wait3A_374 = tpu.memref_squeeze %dma_wait3A_373 : memref<1x2x512xi32, #tpu.memory_space<vmem>> -> memref<2x512xi32, #tpu.memory_space<vmem>>
      %dma_wait3A_375 = arith.constant 0 : i32
      %dma_wait3A_376 = arith.constant 0 : i32
      %dma_wait3A_377 = tpu.memref_slice %arg2[%dma_wait3A_375, %dma_wait3A_376] : memref<6400x512xi32, #tpu.memory_space<hbm>> -> memref<2x512xi32, #tpu.memory_space<hbm>>
      tpu.wait_dma2 semaphore(%arg12 : memref<!tpu.dma_semaphore, #tpu.memory_space<semaphore_mem>>) src(%dma_wait3A_377 : memref<2x512xi32, #tpu.memory_space<hbm>>) dst(%dma_wait3A_374 : memref<2x512xi32, #tpu.memory_space<vmem>>)
      %add3A_378 = arith.constant 1 : i32
      %add3A_379 = arith.addi %mul3A_289, %add3A_378 : i32
      %dma_start3A_380 = arith.constant 1 : i32
      %dma_start3A_381 = arith.constant 0 : i32
      %dma_start3A_382 = arith.constant 1 : i32
      %dma_start3A_383 = arith.constant 0 : i32
      %dma_start3A_384 = arith.constant 0 : i32
      %dma_start3A_385 = tpu.memref_slice %arg6[%dma_start3A_382, %dma_start3A_383, %dma_start3A_384] : memref<2x1024x16xf32, #tpu.memory_space<vmem>> -> memref<1x512x16xf32, #tpu.memory_space<vmem>>
      %dma_start3A_386 = tpu.memref_squeeze %dma_start3A_385 : memref<1x512x16xf32, #tpu.memory_space<vmem>> -> memref<512x16xf32, #tpu.memory_space<vmem>>
      %dma_start3A_387 = arith.constant 0 : i32
      %dma_start3A_388 = tpu.memref_slice %arg5[%dma_start3A_380, %dma_start3A_381, %dma_start3A_387] : memref<2x2x512xi32, #tpu.memory_space<vmem>> -> memref<1x1x512xi32, #tpu.memory_space<vmem>>
      %dma_start3A_389 = tpu.memref_squeeze %dma_start3A_388 : memref<1x1x512xi32, #tpu.memory_space<vmem>> -> memref<512xi32, #tpu.memory_space<vmem>>
      %dma_start3A_390 = arith.constant 0 : i32
      %dma_start3A_391 = arith.constant 0 : i32
      %dma_start3A_392 = tpu.memref_slice %arg3[%dma_start3A_390, %dma_start3A_391] : memref<1000000x16xf32, #tpu.memory_space<hbm>> -> memref<1000000x16xf32, #tpu.memory_space<hbm>>
      tpu.enqueue_indirect_dma source(%dma_start3A_392 : memref<1000000x16xf32, #tpu.memory_space<hbm>>) target(%dma_start3A_386 : memref<512x16xf32, #tpu.memory_space<vmem>>) offsets(%dma_start3A_389 : memref<512xi32, #tpu.memory_space<vmem>>) semaphore(%arg8 : memref<!tpu.dma_semaphore, #tpu.memory_space<semaphore_mem>>)
      %dma_start3A_393 = arith.constant 1 : i32
      %dma_start3A_394 = arith.constant 1 : i32
      %dma_start3A_395 = arith.constant 1 : i32
      %dma_start3A_396 = arith.constant 512 : i32
      %dma_start3A_397 = arith.constant 0 : i32
      %dma_start3A_398 = tpu.memref_slice %arg6[%dma_start3A_395, %dma_start3A_396, %dma_start3A_397] : memref<2x1024x16xf32, #tpu.memory_space<vmem>> -> memref<1x512x16xf32, #tpu.memory_space<vmem>>
      %dma_start3A_399 = tpu.memref_squeeze %dma_start3A_398 : memref<1x512x16xf32, #tpu.memory_space<vmem>> -> memref<512x16xf32, #tpu.memory_space<vmem>>
      %dma_start3A_400 = arith.constant 0 : i32
      %dma_start3A_401 = tpu.memref_slice %arg5[%dma_start3A_393, %dma_start3A_394, %dma_start3A_400] : memref<2x2x512xi32, #tpu.memory_space<vmem>> -> memref<1x1x512xi32, #tpu.memory_space<vmem>>
      %dma_start3A_402 = tpu.memref_squeeze %dma_start3A_401 : memref<1x1x512xi32, #tpu.memory_space<vmem>> -> memref<512xi32, #tpu.memory_space<vmem>>
      %dma_start3A_403 = arith.constant 0 : i32
      %dma_start3A_404 = arith.constant 0 : i32
      %dma_start3A_405 = tpu.memref_slice %arg3[%dma_start3A_403, %dma_start3A_404] : memref<1000000x16xf32, #tpu.memory_space<hbm>> -> memref<1000000x16xf32, #tpu.memory_space<hbm>>
      tpu.enqueue_indirect_dma source(%dma_start3A_405 : memref<1000000x16xf32, #tpu.memory_space<hbm>>) target(%dma_start3A_399 : memref<512x16xf32, #tpu.memory_space<vmem>>) offsets(%dma_start3A_402 : memref<512xi32, #tpu.memory_space<vmem>>) semaphore(%arg8 : memref<!tpu.dma_semaphore, #tpu.memory_space<semaphore_mem>>)
      %dma_wait3A_406 = arith.constant 0 : i32
      %dma_wait3A_407 = arith.constant 0 : i32
      %dma_wait3A_408 = arith.constant 0 : i32
      %dma_wait3A_409 = tpu.memref_slice %arg6[%dma_wait3A_406, %dma_wait3A_407, %dma_wait3A_408] : memref<2x1024x16xf32, #tpu.memory_space<vmem>> -> memref<1x1024x16xf32, #tpu.memory_space<vmem>>
      %dma_wait3A_410 = tpu.memref_squeeze %dma_wait3A_409 : memref<1x1024x16xf32, #tpu.memory_space<vmem>> -> memref<1024x16xf32, #tpu.memory_space<vmem>>
      %dma_wait3A_411 = arith.constant 0 : i32
      %dma_wait3A_412 = arith.constant 0 : i32
      %dma_wait3A_413 = tpu.memref_slice %arg4[%dma_wait3A_411, %dma_wait3A_412] : memref<1638400x16xf32, #tpu.memory_space<hbm>> -> memref<1024x16xf32, #tpu.memory_space<hbm>>
      %dma_wait3A_414 = arith.constant 0 : i32
      %dma_wait3A_415 = arith.constant 0 : i32
      %dma_wait3A_416 = tpu.memref_slice %arg6[%dma_wait3A_406, %dma_wait3A_414, %dma_wait3A_415] : memref<2x1024x16xf32, #tpu.memory_space<vmem>> -> memref<1x1024x16xf32, #tpu.memory_space<vmem>>
      %dma_wait3A_417 = tpu.memref_squeeze %dma_wait3A_416 : memref<1x1024x16xf32, #tpu.memory_space<vmem>> -> memref<1024x16xf32, #tpu.memory_space<vmem>>
      %dma_wait3A_418 = arith.constant 0 : i32
      %dma_wait3A_419 = arith.constant 0 : i32
      %dma_wait3A_420 = tpu.memref_slice %arg4[%dma_wait3A_418, %dma_wait3A_419] : memref<1638400x16xf32, #tpu.memory_space<hbm>> -> memref<1024x16xf32, #tpu.memory_space<hbm>>
      tpu.wait_dma2 semaphore(%arg7 : memref<!tpu.dma_semaphore, #tpu.memory_space<semaphore_mem>>) src(%dma_wait3A_420 : memref<1024x16xf32, #tpu.memory_space<hbm>>) dst(%dma_wait3A_417 : memref<1024x16xf32, #tpu.memory_space<vmem>>)
      %add3A_421 = arith.constant 0 : i32
      %add3A_422 = arith.addi %mul3A_289, %add3A_421 : i32
      %mul3A_423 = arith.constant 1024 : i32
      %mul3A_424 = arith.muli %add3A_422, %mul3A_423 : i32
      %add3A_425 = arith.addi %mul3A_6, %mul3A_424 : i32
      %dma_start3A_426 = arith.constant 0 : i32
      %dma_start3A_427 = arith.constant 0 : i32
      %dma_start3A_428 = arith.constant 0 : i32
      %dma_start3A_429 = tpu.memref_slice %arg6[%dma_start3A_426, %dma_start3A_427, %dma_start3A_428] : memref<2x1024x16xf32, #tpu.memory_space<vmem>> -> memref<1x1024x16xf32, #tpu.memory_space<vmem>>
      %dma_start3A_430 = tpu.memref_squeeze %dma_start3A_429 : memref<1x1024x16xf32, #tpu.memory_space<vmem>> -> memref<1024x16xf32, #tpu.memory_space<vmem>>
      %dma_start3A_431 = arith.constant 0 : i32
      %dma_start3A_432 = tpu.memref_slice %arg4[%add3A_425, %dma_start3A_431] : memref<1638400x16xf32, #tpu.memory_space<hbm>> -> memref<1024x16xf32, #tpu.memory_space<hbm>>
      %dma_start3A_433 = arith.constant 0 : i32
      %dma_start3A_434 = tpu.memref_slice %arg4[%add3A_425, %dma_start3A_433] : memref<1638400x16xf32, #tpu.memory_space<hbm>> -> memref<1024x16xf32, #tpu.memory_space<hbm>>
      %dma_start3A_435 = arith.constant 0 : i32
      %dma_start3A_436 = arith.constant 0 : i32
      %dma_start3A_437 = tpu.memref_slice %arg6[%dma_start3A_426, %dma_start3A_435, %dma_start3A_436] : memref<2x1024x16xf32, #tpu.memory_space<vmem>> -> memref<1x1024x16xf32, #tpu.memory_space<vmem>>
      %dma_start3A_438 = tpu.memref_squeeze %dma_start3A_437 : memref<1x1024x16xf32, #tpu.memory_space<vmem>> -> memref<1024x16xf32, #tpu.memory_space<vmem>>
      tpu.enqueue_dma source(%dma_start3A_438 : memref<1024x16xf32, #tpu.memory_space<vmem>>) target(%dma_start3A_434 : memref<1024x16xf32, #tpu.memory_space<hbm>>) target_semaphore(%arg9 : memref<!tpu.dma_semaphore, #tpu.memory_space<semaphore_mem>>)
      %add3A_439 = arith.constant 0 : i32
      %add3A_440 = arith.addi %mul3A_289, %add3A_439 : i32
      %add3A_441 = arith.constant 2 : i32
      %add3A_442 = arith.addi %add3A_440, %add3A_441 : i32
      %min3A_443 = arith.constant 49 : i32
      %min3A_444 = arith.minsi %add3A_442, %min3A_443 : i32
      %mul3A_445 = arith.constant 2 : i32
      %mul3A_446 = arith.muli %min3A_444, %mul3A_445 : i32
      %add3A_447 = arith.addi %add3A_4, %mul3A_446 : i32
      %dma_start3A_448 = arith.constant 0 : i32
      %dma_start3A_449 = arith.constant 0 : i32
      %dma_start3A_450 = arith.constant 0 : i32
      %dma_start3A_451 = tpu.memref_slice %arg5[%dma_start3A_448, %dma_start3A_449, %dma_start3A_450] : memref<2x2x512xi32, #tpu.memory_space<vmem>> -> memref<1x2x512xi32, #tpu.memory_space<vmem>>
      %dma_start3A_452 = tpu.memref_squeeze %dma_start3A_451 : memref<1x2x512xi32, #tpu.memory_space<vmem>> -> memref<2x512xi32, #tpu.memory_space<vmem>>
      %dma_start3A_453 = arith.constant 0 : i32
      %dma_start3A_454 = tpu.memref_slice %arg2[%add3A_447, %dma_start3A_453] : memref<6400x512xi32, #tpu.memory_space<hbm>> -> memref<2x512xi32, #tpu.memory_space<hbm>>
      %dma_start3A_455 = arith.constant 0 : i32
      %dma_start3A_456 = arith.constant 0 : i32
      %dma_start3A_457 = tpu.memref_slice %arg5[%dma_start3A_448, %dma_start3A_455, %dma_start3A_456] : memref<2x2x512xi32, #tpu.memory_space<vmem>> -> memref<1x2x512xi32, #tpu.memory_space<vmem>>
      %dma_start3A_458 = tpu.memref_squeeze %dma_start3A_457 : memref<1x2x512xi32, #tpu.memory_space<vmem>> -> memref<2x512xi32, #tpu.memory_space<vmem>>
      %dma_start3A_459 = arith.constant 0 : i32
      %dma_start3A_460 = tpu.memref_slice %arg2[%add3A_447, %dma_start3A_459] : memref<6400x512xi32, #tpu.memory_space<hbm>> -> memref<2x512xi32, #tpu.memory_space<hbm>>
      tpu.enqueue_dma source(%dma_start3A_460 : memref<2x512xi32, #tpu.memory_space<hbm>>) target(%dma_start3A_458 : memref<2x512xi32, #tpu.memory_space<vmem>>) target_semaphore(%arg11 : memref<!tpu.dma_semaphore, #tpu.memory_space<semaphore_mem>>)
      %dma_wait3A_461 = arith.constant 1 : i32
      %dma_wait3A_462 = arith.constant 0 : i32
      %dma_wait3A_463 = arith.constant 0 : i32
      %dma_wait3A_464 = tpu.memref_slice %arg6[%dma_wait3A_461, %dma_wait3A_462, %dma_wait3A_463] : memref<2x1024x16xf32, #tpu.memory_space<vmem>> -> memref<1x1024x16xf32, #tpu.memory_space<vmem>>
      %dma_wait3A_465 = tpu.memref_squeeze %dma_wait3A_464 : memref<1x1024x16xf32, #tpu.memory_space<vmem>> -> memref<1024x16xf32, #tpu.memory_space<vmem>>
      %dma_wait3A_466 = arith.constant 0 : i32
      %dma_wait3A_467 = arith.constant 0 : i32
      %dma_wait3A_468 = tpu.memref_slice %arg4[%dma_wait3A_466, %dma_wait3A_467] : memref<1638400x16xf32, #tpu.memory_space<hbm>> -> memref<1024x16xf32, #tpu.memory_space<hbm>>
      %dma_wait3A_469 = arith.constant 0 : i32
      %dma_wait3A_470 = arith.constant 0 : i32
      %dma_wait3A_471 = tpu.memref_slice %arg6[%dma_wait3A_461, %dma_wait3A_469, %dma_wait3A_470] : memref<2x1024x16xf32, #tpu.memory_space<vmem>> -> memref<1x1024x16xf32, #tpu.memory_space<vmem>>
      %dma_wait3A_472 = tpu.memref_squeeze %dma_wait3A_471 : memref<1x1024x16xf32, #tpu.memory_space<vmem>> -> memref<1024x16xf32, #tpu.memory_space<vmem>>
      %dma_wait3A_473 = arith.constant 0 : i32
      %dma_wait3A_474 = arith.constant 0 : i32
      %dma_wait3A_475 = tpu.memref_slice %arg4[%dma_wait3A_473, %dma_wait3A_474] : memref<1638400x16xf32, #tpu.memory_space<hbm>> -> memref<1024x16xf32, #tpu.memory_space<hbm>>
      tpu.wait_dma2 semaphore(%arg8 : memref<!tpu.dma_semaphore, #tpu.memory_space<semaphore_mem>>) src(%dma_wait3A_475 : memref<1024x16xf32, #tpu.memory_space<hbm>>) dst(%dma_wait3A_472 : memref<1024x16xf32, #tpu.memory_space<vmem>>)
      %add3A_476 = arith.constant 1 : i32
      %add3A_477 = arith.addi %mul3A_289, %add3A_476 : i32
      %mul3A_478 = arith.constant 1024 : i32
      %mul3A_479 = arith.muli %add3A_477, %mul3A_478 : i32
      %add3A_480 = arith.addi %mul3A_6, %mul3A_479 : i32
      %dma_start3A_481 = arith.constant 1 : i32
      %dma_start3A_482 = arith.constant 0 : i32
      %dma_start3A_483 = arith.constant 0 : i32
      %dma_start3A_484 = tpu.memref_slice %arg6[%dma_start3A_481, %dma_start3A_482, %dma_start3A_483] : memref<2x1024x16xf32, #tpu.memory_space<vmem>> -> memref<1x1024x16xf32, #tpu.memory_space<vmem>>
      %dma_start3A_485 = tpu.memref_squeeze %dma_start3A_484 : memref<1x1024x16xf32, #tpu.memory_space<vmem>> -> memref<1024x16xf32, #tpu.memory_space<vmem>>
      %dma_start3A_486 = arith.constant 0 : i32
      %dma_start3A_487 = tpu.memref_slice %arg4[%add3A_480, %dma_start3A_486] : memref<1638400x16xf32, #tpu.memory_space<hbm>> -> memref<1024x16xf32, #tpu.memory_space<hbm>>
      %dma_start3A_488 = arith.constant 0 : i32
      %dma_start3A_489 = tpu.memref_slice %arg4[%add3A_480, %dma_start3A_488] : memref<1638400x16xf32, #tpu.memory_space<hbm>> -> memref<1024x16xf32, #tpu.memory_space<hbm>>
      %dma_start3A_490 = arith.constant 0 : i32
      %dma_start3A_491 = arith.constant 0 : i32
      %dma_start3A_492 = tpu.memref_slice %arg6[%dma_start3A_481, %dma_start3A_490, %dma_start3A_491] : memref<2x1024x16xf32, #tpu.memory_space<vmem>> -> memref<1x1024x16xf32, #tpu.memory_space<vmem>>
      %dma_start3A_493 = tpu.memref_squeeze %dma_start3A_492 : memref<1x1024x16xf32, #tpu.memory_space<vmem>> -> memref<1024x16xf32, #tpu.memory_space<vmem>>
      tpu.enqueue_dma source(%dma_start3A_493 : memref<1024x16xf32, #tpu.memory_space<vmem>>) target(%dma_start3A_489 : memref<1024x16xf32, #tpu.memory_space<hbm>>) target_semaphore(%arg10 : memref<!tpu.dma_semaphore, #tpu.memory_space<semaphore_mem>>)
      %add3A_494 = arith.constant 1 : i32
      %add3A_495 = arith.addi %mul3A_289, %add3A_494 : i32
      %add3A_496 = arith.constant 2 : i32
      %add3A_497 = arith.addi %add3A_495, %add3A_496 : i32
      %min3A_498 = arith.constant 49 : i32
      %min3A_499 = arith.minsi %add3A_497, %min3A_498 : i32
      %mul3A_500 = arith.constant 2 : i32
      %mul3A_501 = arith.muli %min3A_499, %mul3A_500 : i32
      %add3A_502 = arith.addi %add3A_4, %mul3A_501 : i32
      %dma_start3A_503 = arith.constant 1 : i32
      %dma_start3A_504 = arith.constant 0 : i32
      %dma_start3A_505 = arith.constant 0 : i32
      %dma_start3A_506 = tpu.memref_slice %arg5[%dma_start3A_503, %dma_start3A_504, %dma_start3A_505] : memref<2x2x512xi32, #tpu.memory_space<vmem>> -> memref<1x2x512xi32, #tpu.memory_space<vmem>>
      %dma_start3A_507 = tpu.memref_squeeze %dma_start3A_506 : memref<1x2x512xi32, #tpu.memory_space<vmem>> -> memref<2x512xi32, #tpu.memory_space<vmem>>
      %dma_start3A_508 = arith.constant 0 : i32
      %dma_start3A_509 = tpu.memref_slice %arg2[%add3A_502, %dma_start3A_508] : memref<6400x512xi32, #tpu.memory_space<hbm>> -> memref<2x512xi32, #tpu.memory_space<hbm>>
      %dma_start3A_510 = arith.constant 0 : i32
      %dma_start3A_511 = arith.constant 0 : i32
      %dma_start3A_512 = tpu.memref_slice %arg5[%dma_start3A_503, %dma_start3A_510, %dma_start3A_511] : memref<2x2x512xi32, #tpu.memory_space<vmem>> -> memref<1x2x512xi32, #tpu.memory_space<vmem>>
      %dma_start3A_513 = tpu.memref_squeeze %dma_start3A_512 : memref<1x2x512xi32, #tpu.memory_space<vmem>> -> memref<2x512xi32, #tpu.memory_space<vmem>>
      %dma_start3A_514 = arith.constant 0 : i32
      %dma_start3A_515 = tpu.memref_slice %arg2[%add3A_502, %dma_start3A_514] : memref<6400x512xi32, #tpu.memory_space<hbm>> -> memref<2x512xi32, #tpu.memory_space<hbm>>
      tpu.enqueue_dma source(%dma_start3A_515 : memref<2x512xi32, #tpu.memory_space<hbm>>) target(%dma_start3A_513 : memref<2x512xi32, #tpu.memory_space<vmem>>) target_semaphore(%arg12 : memref<!tpu.dma_semaphore, #tpu.memory_space<semaphore_mem>>)
    }
    %scan3A_226 = arith.constant 24 : i32
    %dma_wait3A_227 = arith.constant 0 : i32
    %dma_wait3A_228 = arith.constant 0 : i32
    %dma_wait3A_229 = arith.constant 0 : i32
    %dma_wait3A_230 = tpu.memref_slice %arg6[%dma_wait3A_227, %dma_wait3A_228, %dma_wait3A_229] : memref<2x1024x16xf32, #tpu.memory_space<vmem>> -> memref<1x1024x16xf32, #tpu.memory_space<vmem>>
    %dma_wait3A_231 = tpu.memref_squeeze %dma_wait3A_230 : memref<1x1024x16xf32, #tpu.memory_space<vmem>> -> memref<1024x16xf32, #tpu.memory_space<vmem>>
    %dma_wait3A_232 = arith.constant 0 : i32
    %dma_wait3A_233 = arith.constant 0 : i32
    %dma_wait3A_234 = tpu.memref_slice %arg4[%dma_wait3A_232, %dma_wait3A_233] : memref<1638400x16xf32, #tpu.memory_space<hbm>> -> memref<1024x16xf32, #tpu.memory_space<hbm>>
    %dma_wait3A_235 = arith.constant 0 : i32
    %dma_wait3A_236 = arith.constant 0 : i32
    %dma_wait3A_237 = tpu.memref_slice %arg4[%dma_wait3A_235, %dma_wait3A_236] : memref<1638400x16xf32, #tpu.memory_space<hbm>> -> memref<1024x16xf32, #tpu.memory_space<hbm>>
    %dma_wait3A_238 = arith.constant 0 : i32
    %dma_wait3A_239 = arith.constant 0 : i32
    %dma_wait3A_240 = tpu.memref_slice %arg6[%dma_wait3A_227, %dma_wait3A_238, %dma_wait3A_239] : memref<2x1024x16xf32, #tpu.memory_space<vmem>> -> memref<1x1024x16xf32, #tpu.memory_space<vmem>>
    %dma_wait3A_241 = tpu.memref_squeeze %dma_wait3A_240 : memref<1x1024x16xf32, #tpu.memory_space<vmem>> -> memref<1024x16xf32, #tpu.memory_space<vmem>>
    tpu.wait_dma2 semaphore(%arg9 : memref<!tpu.dma_semaphore, #tpu.memory_space<semaphore_mem>>) src(%dma_wait3A_241 : memref<1024x16xf32, #tpu.memory_space<vmem>>) dst(%dma_wait3A_237 : memref<1024x16xf32, #tpu.memory_space<hbm>>)
    %dma_wait3A_242 = arith.constant 0 : i32
    %dma_wait3A_243 = arith.constant 0 : i32
    %dma_wait3A_244 = arith.constant 0 : i32
    %dma_wait3A_245 = tpu.memref_slice %arg5[%dma_wait3A_242, %dma_wait3A_243, %dma_wait3A_244] : memref<2x2x512xi32, #tpu.memory_space<vmem>> -> memref<1x2x512xi32, #tpu.memory_space<vmem>>
    %dma_wait3A_246 = tpu.memref_squeeze %dma_wait3A_245 : memref<1x2x512xi32, #tpu.memory_space<vmem>> -> memref<2x512xi32, #tpu.memory_space<vmem>>
    %dma_wait3A_247 = arith.constant 0 : i32
    %dma_wait3A_248 = arith.constant 0 : i32
    %dma_wait3A_249 = tpu.memref_slice %arg2[%dma_wait3A_247, %dma_wait3A_248] : memref<6400x512xi32, #tpu.memory_space<hbm>> -> memref<2x512xi32, #tpu.memory_space<hbm>>
    %dma_wait3A_250 = arith.constant 0 : i32
    %dma_wait3A_251 = arith.constant 0 : i32
    %dma_wait3A_252 = tpu.memref_slice %arg5[%dma_wait3A_242, %dma_wait3A_250, %dma_wait3A_251] : memref<2x2x512xi32, #tpu.memory_space<vmem>> -> memref<1x2x512xi32, #tpu.memory_space<vmem>>
    %dma_wait3A_253 = tpu.memref_squeeze %dma_wait3A_252 : memref<1x2x512xi32, #tpu.memory_space<vmem>> -> memref<2x512xi32, #tpu.memory_space<vmem>>
    %dma_wait3A_254 = arith.constant 0 : i32
    %dma_wait3A_255 = arith.constant 0 : i32
    %dma_wait3A_256 = tpu.memref_slice %arg2[%dma_wait3A_254, %dma_wait3A_255] : memref<6400x512xi32, #tpu.memory_space<hbm>> -> memref<2x512xi32, #tpu.memory_space<hbm>>
    tpu.wait_dma2 semaphore(%arg11 : memref<!tpu.dma_semaphore, #tpu.memory_space<semaphore_mem>>) src(%dma_wait3A_256 : memref<2x512xi32, #tpu.memory_space<hbm>>) dst(%dma_wait3A_253 : memref<2x512xi32, #tpu.memory_space<vmem>>)
    %dma_wait3A_257 = arith.constant 1 : i32
    %dma_wait3A_258 = arith.constant 0 : i32
    %dma_wait3A_259 = arith.constant 0 : i32
    %dma_wait3A_260 = tpu.memref_slice %arg6[%dma_wait3A_257, %dma_wait3A_258, %dma_wait3A_259] : memref<2x1024x16xf32, #tpu.memory_space<vmem>> -> memref<1x1024x16xf32, #tpu.memory_space<vmem>>
    %dma_wait3A_261 = tpu.memref_squeeze %dma_wait3A_260 : memref<1x1024x16xf32, #tpu.memory_space<vmem>> -> memref<1024x16xf32, #tpu.memory_space<vmem>>
    %dma_wait3A_262 = arith.constant 0 : i32
    %dma_wait3A_263 = arith.constant 0 : i32
    %dma_wait3A_264 = tpu.memref_slice %arg4[%dma_wait3A_262, %dma_wait3A_263] : memref<1638400x16xf32, #tpu.memory_space<hbm>> -> memref<1024x16xf32, #tpu.memory_space<hbm>>
    %dma_wait3A_265 = arith.constant 0 : i32
    %dma_wait3A_266 = arith.constant 0 : i32
    %dma_wait3A_267 = tpu.memref_slice %arg4[%dma_wait3A_265, %dma_wait3A_266] : memref<1638400x16xf32, #tpu.memory_space<hbm>> -> memref<1024x16xf32, #tpu.memory_space<hbm>>
    %dma_wait3A_268 = arith.constant 0 : i32
    %dma_wait3A_269 = arith.constant 0 : i32
    %dma_wait3A_270 = tpu.memref_slice %arg6[%dma_wait3A_257, %dma_wait3A_268, %dma_wait3A_269] : memref<2x1024x16xf32, #tpu.memory_space<vmem>> -> memref<1x1024x16xf32, #tpu.memory_space<vmem>>
    %dma_wait3A_271 = tpu.memref_squeeze %dma_wait3A_270 : memref<1x1024x16xf32, #tpu.memory_space<vmem>> -> memref<1024x16xf32, #tpu.memory_space<vmem>>
    tpu.wait_dma2 semaphore(%arg10 : memref<!tpu.dma_semaphore, #tpu.memory_space<semaphore_mem>>) src(%dma_wait3A_271 : memref<1024x16xf32, #tpu.memory_space<vmem>>) dst(%dma_wait3A_267 : memref<1024x16xf32, #tpu.memory_space<hbm>>)
    %dma_wait3A_272 = arith.constant 1 : i32
    %dma_wait3A_273 = arith.constant 0 : i32
    %dma_wait3A_274 = arith.constant 0 : i32
    %dma_wait3A_275 = tpu.memref_slice %arg5[%dma_wait3A_272, %dma_wait3A_273, %dma_wait3A_274] : memref<2x2x512xi32, #tpu.memory_space<vmem>> -> memref<1x2x512xi32, #tpu.memory_space<vmem>>
    %dma_wait3A_276 = tpu.memref_squeeze %dma_wait3A_275 : memref<1x2x512xi32, #tpu.memory_space<vmem>> -> memref<2x512xi32, #tpu.memory_space<vmem>>
    %dma_wait3A_277 = arith.constant 0 : i32
    %dma_wait3A_278 = arith.constant 0 : i32
    %dma_wait3A_279 = tpu.memref_slice %arg2[%dma_wait3A_277, %dma_wait3A_278] : memref<6400x512xi32, #tpu.memory_space<hbm>> -> memref<2x512xi32, #tpu.memory_space<hbm>>
    %dma_wait3A_280 = arith.constant 0 : i32
    %dma_wait3A_281 = arith.constant 0 : i32
    %dma_wait3A_282 = tpu.memref_slice %arg5[%dma_wait3A_272, %dma_wait3A_280, %dma_wait3A_281] : memref<2x2x512xi32, #tpu.memory_space<vmem>> -> memref<1x2x512xi32, #tpu.memory_space<vmem>>
    %dma_wait3A_283 = tpu.memref_squeeze %dma_wait3A_282 : memref<1x2x512xi32, #tpu.memory_space<vmem>> -> memref<2x512xi32, #tpu.memory_space<vmem>>
    %dma_wait3A_284 = arith.constant 0 : i32
    %dma_wait3A_285 = arith.constant 0 : i32
    %dma_wait3A_286 = tpu.memref_slice %arg2[%dma_wait3A_284, %dma_wait3A_285] : memref<6400x512xi32, #tpu.memory_space<hbm>> -> memref<2x512xi32, #tpu.memory_space<hbm>>
    tpu.wait_dma2 semaphore(%arg12 : memref<!tpu.dma_semaphore, #tpu.memory_space<semaphore_mem>>) src(%dma_wait3A_286 : memref<2x512xi32, #tpu.memory_space<hbm>>) dst(%dma_wait3A_283 : memref<2x512xi32, #tpu.memory_space<vmem>>)
    return
  }
}

module attributes {stable_mosaic.version = 14 : i64} {
  func.func @body(%arg0: i32, %arg1: memref<16x8192xf32, #tpu.memory_space<vmem>>, %arg2: memref<1024x128xf32, #tpu.memory_space<vmem>>) attributes {dimension_semantics = [#tpu.dimension_semantics<arbitrary>], iteration_bounds = array<i64: 123>, scalar_prefetch = 0 : i64, scratch_operands = 0 : i64, tpu.core_type = #tpu.core_type<tc>, window_params = [{transform_indices = @transform_0, window_bounds = array<i64: 16, 8192>}, {transform_indices = @transform_1, window_bounds = array<i64: 1024, 128>}]} {
    %get3A = arith.constant 0 : index
    %get3A_0 = arith.constant 0 : index
    %get3A_1 = vector.load %arg1[%get3A, %get3A_0] : memref<16x8192xf32, #tpu.memory_space<vmem>>, vector<16x8192xf32>
    %transpose3A = tpu.transpose %get3A_1, [1, 0] : vector<16x8192xf32> -> vector<8192x16xf32>
    %reshape3A = vector.shape_cast %transpose3A : vector<8192x16xf32> to vector<1024x8x16xf32>
    %slice3A = vector.extract_strided_slice %reshape3A {offsets = [0, 0, 0], sizes = [1024, 1, 16], strides = [1, 1, 1]} : vector<1024x8x16xf32> to vector<1024x1x16xf32>
    %squeeze3A = vector.shape_cast %slice3A : vector<1024x1x16xf32> to vector<1024x16xf32>
    %slice3A_2 = vector.extract_strided_slice %reshape3A {offsets = [0, 1, 0], sizes = [1024, 1, 16], strides = [1, 1, 1]} : vector<1024x8x16xf32> to vector<1024x1x16xf32>
    %squeeze3A_3 = vector.shape_cast %slice3A_2 : vector<1024x1x16xf32> to vector<1024x16xf32>
    %slice3A_4 = vector.extract_strided_slice %reshape3A {offsets = [0, 2, 0], sizes = [1024, 1, 16], strides = [1, 1, 1]} : vector<1024x8x16xf32> to vector<1024x1x16xf32>
    %squeeze3A_5 = vector.shape_cast %slice3A_4 : vector<1024x1x16xf32> to vector<1024x16xf32>
    %slice3A_6 = vector.extract_strided_slice %reshape3A {offsets = [0, 3, 0], sizes = [1024, 1, 16], strides = [1, 1, 1]} : vector<1024x8x16xf32> to vector<1024x1x16xf32>
    %squeeze3A_7 = vector.shape_cast %slice3A_6 : vector<1024x1x16xf32> to vector<1024x16xf32>
    %slice3A_8 = vector.extract_strided_slice %reshape3A {offsets = [0, 4, 0], sizes = [1024, 1, 16], strides = [1, 1, 1]} : vector<1024x8x16xf32> to vector<1024x1x16xf32>
    %squeeze3A_9 = vector.shape_cast %slice3A_8 : vector<1024x1x16xf32> to vector<1024x16xf32>
    %slice3A_10 = vector.extract_strided_slice %reshape3A {offsets = [0, 5, 0], sizes = [1024, 1, 16], strides = [1, 1, 1]} : vector<1024x8x16xf32> to vector<1024x1x16xf32>
    %squeeze3A_11 = vector.shape_cast %slice3A_10 : vector<1024x1x16xf32> to vector<1024x16xf32>
    %slice3A_12 = vector.extract_strided_slice %reshape3A {offsets = [0, 6, 0], sizes = [1024, 1, 16], strides = [1, 1, 1]} : vector<1024x8x16xf32> to vector<1024x1x16xf32>
    %squeeze3A_13 = vector.shape_cast %slice3A_12 : vector<1024x1x16xf32> to vector<1024x16xf32>
    %slice3A_14 = vector.extract_strided_slice %reshape3A {offsets = [0, 7, 0], sizes = [1024, 1, 16], strides = [1, 1, 1]} : vector<1024x8x16xf32> to vector<1024x1x16xf32>
    %squeeze3A_15 = vector.shape_cast %slice3A_14 : vector<1024x1x16xf32> to vector<1024x16xf32>
    %concatenate3A = tpu.concatenate %squeeze3A, %squeeze3A_3, %squeeze3A_5, %squeeze3A_7, %squeeze3A_9, %squeeze3A_11, %squeeze3A_13, %squeeze3A_15 in 1 : vector<1024x16xf32>, vector<1024x16xf32>, vector<1024x16xf32>, vector<1024x16xf32>, vector<1024x16xf32>, vector<1024x16xf32>, vector<1024x16xf32>, vector<1024x16xf32> -> vector<1024x128xf32>
    %swap3A = arith.constant 0 : index
    %swap3A_16 = arith.constant 0 : index
    %swap3A_17 = vector.load %arg2[%swap3A, %swap3A_16] : memref<1024x128xf32, #tpu.memory_space<vmem>>, vector<1024x128xf32>
    tpu.vector_store %arg2[%swap3A, %swap3A_16], %concatenate3A {strides = array<i32>} : memref<1024x128xf32, #tpu.memory_space<vmem>>, vector<1024x128xf32>,
    return
  }
  func.func @transform_0(%arg0: i32) -> (i32, i32) {
    %c0_i32 = arith.constant 0 : i32
    %c0_i32_0 = arith.constant 0 : i32
    return %c0_i32, %arg0 : i32, i32
  }
  func.func @transform_1(%arg0: i32) -> (i32, i32) {
    %c0_i32 = arith.constant 0 : i32
    %c0_i32_0 = arith.constant 0 : i32
    return %arg0, %c0_i32 : i32, i32
  }
}

module attributes {stable_mosaic.version = 14 : i64} {
  func.func @body(%arg0: i32, %arg1: memref<3200x128xf32, #tpu.memory_space<vmem>>, %arg2: memref<3200x128xf32, #tpu.memory_space<vmem>>) attributes {dimension_semantics = [#tpu.dimension_semantics<arbitrary>], iteration_bounds = array<i64: 64>, scalar_prefetch = 0 : i64, scratch_operands = 0 : i64, tpu.core_type = #tpu.core_type<tc>, window_params = [{transform_indices = @transform_0, window_bounds = array<i64: 3200, 128>}, {transform_indices = @transform_1, window_bounds = array<i64: 3200, 128>}]} {
    %get3A = arith.constant 0 : index
    %get3A_0 = arith.constant 0 : index
    %get3A_1 = vector.load %arg1[%get3A, %get3A_0] : memref<3200x128xf32, #tpu.memory_space<vmem>>, vector<3200x128xf32>
    %reshape3A = vector.shape_cast %get3A_1 : vector<3200x128xf32> to vector<128x25x128xf32>
    %reshape3A_2 = vector.shape_cast %reshape3A : vector<128x25x128xf32> to vector<128x3200xf32>
    %transpose3A = tpu.transpose %reshape3A_2, [1, 0] : vector<128x3200xf32> -> vector<3200x128xf32>
    %swap3A = arith.constant 0 : index
    %swap3A_3 = arith.constant 0 : index
    %swap3A_4 = vector.load %arg2[%swap3A, %swap3A_3] : memref<3200x128xf32, #tpu.memory_space<vmem>>, vector<3200x128xf32>
    tpu.vector_store %arg2[%swap3A, %swap3A_3], %transpose3A {strides = array<i32>} : memref<3200x128xf32, #tpu.memory_space<vmem>>, vector<3200x128xf32>,
    return
  }
  func.func @transform_0(%arg0: i32) -> (i32, i32) {
    %c0_i32 = arith.constant 0 : i32
    %c0_i32_0 = arith.constant 0 : i32
    return %arg0, %c0_i32 : i32, i32
  }
  func.func @transform_1(%arg0: i32) -> (i32, i32) {
    %add3A = arith.constant 0 : i32
    %add3A_0 = arith.addi %arg0, %add3A : i32
    %c0_i32 = arith.constant 0 : i32
    %c0_i32_1 = arith.constant 0 : i32
    return %c0_i32, %add3A_0 : i32, i32
  }
}

module attributes {stable_mosaic.version = 14 : i64} {
  func.func @body(%arg0: i32, %arg1: memref<3200x128xf32, #tpu.memory_space<vmem>>, %arg2: memref<3200x16384xf32, #tpu.memory_space<any>>, %arg3: memref<3200x128xf32, #tpu.memory_space<vmem>>) attributes {dimension_semantics = [#tpu.dimension_semantics<arbitrary>], iteration_bounds = array<i64: 64>, scalar_prefetch = 0 : i64, scratch_operands = 0 : i64, tpu.core_type = #tpu.core_type<tc>, window_params = [{transform_indices = @transform_0, window_bounds = array<i64: 3200, 128>}, {}, {transform_indices = @transform_2, window_bounds = array<i64: 3200, 128>}]} {
    %get3A = arith.constant 0 : index
    %get3A_0 = arith.constant 0 : index
    %get3A_1 = vector.load %arg1[%get3A, %get3A_0] : memref<3200x128xf32, #tpu.memory_space<vmem>>, vector<3200x128xf32>
    %reshape3A = vector.shape_cast %get3A_1 : vector<3200x128xf32> to vector<128x25x128xf32>
    %reshape3A_2 = vector.shape_cast %reshape3A : vector<128x25x128xf32> to vector<128x3200xf32>
    %transpose3A = tpu.transpose %reshape3A_2, [1, 0] : vector<128x3200xf32> -> vector<3200x128xf32>
    %swap3A = arith.constant 0 : index
    %swap3A_3 = arith.constant 0 : index
    %swap3A_4 = vector.load %arg3[%swap3A, %swap3A_3] : memref<3200x128xf32, #tpu.memory_space<vmem>>, vector<3200x128xf32>
    tpu.vector_store %arg3[%swap3A, %swap3A_3], %transpose3A {strides = array<i32>} : memref<3200x128xf32, #tpu.memory_space<vmem>>, vector<3200x128xf32>,
    return
  }
  func.func @transform_0(%arg0: i32) -> (i32, i32) {
    %c0_i32 = arith.constant 0 : i32
    %c0_i32_0 = arith.constant 0 : i32
    return %arg0, %c0_i32 : i32, i32
  }
  func.func @transform_2(%arg0: i32) -> (i32, i32) {
    %add3A = arith.constant 64 : i32
    %add3A_0 = arith.addi %arg0, %add3A : i32
    %c0_i32 = arith.constant 0 : i32
    %c0_i32_1 = arith.constant 0 : i32
    return %c0_i32, %add3A_0 : i32, i32
  }
}

</mosaic_0001>

<sc_bundles>
// kernel: kernel.10.cloned.1.call-start
scs
__scs_entry_jumppad:
0x0: {  	(pc) =	sbr.rel $0x88, $3  }
0x1: {  	(tag) =	ssettag $0x0;
	lr =	simm.s32 $0x1  }
0x2: {  	[smem:$0x3F9F] =	sst lr;
	_ =	strace $0xD0000000  }
0x3: {  	_ = 	snop  }
0x4: {  	_ = 	snop  }
0x5: {  	_ = 	snop  }
0x6: {  	_ = 	snop  }
0x7: {  	_ = 	snop  }
__scs_overlays_trampoline_lowered:
0x8: {  	[smem:$0x3FAE] =	sst s0  }
0x9: {  	[smem:$0x3FAF] =	sst s1  }
0xa: {  	[smem:$0x3FB0] =	sst s2  }
0xb: {  	[smem:$0x3FB1] =	sst s3  }
0xc: {  	[smem:$0x3FB2] =	sst s4  }
0xd: {  	[smem:$0x3FB3] =	sst s5  }
0xe: {  	[smem:$0x3FB4] =	sst s6  }
0xf: {  	[smem:$0x3FB5] =	sst s7  }
0x10: {  	[smem:$0x3FB6] =	sst s8  }
0x11: {  	[smem:$0x3FB7] =	sst s9;
	s0 =	simm.s32 @!p0 $0x0  }
0x12: {  	s1 =	sld [smem:$0x3F9D];
	s0 =	simm.s32 @p0 $0x1  }
0x13: {  	[smem:$0x3FB8] =	sst s0;
	s0 =	simm.s32 @!p1 $0x0  }
0x14: {  	s2 =	sld [smem:$0x3F9C];
	s0 =	simm.s32 @p1 $0x1  }
0x15: {  	[smem:$0x3FB9] =	sst s0;
	s0 =	simm.s32 @!p2 $0x0  }
0x16: {  	s3 =	sld [smem:$0x3FDB];
	s0 =	simm.s32 @p2 $0x1  }
0x17: {  	s4 =	simm.s32 $0x1BF5;
	[smem:$0x3FBB] =	sst s0  }
0x18: {  	s0 =	sld [smem:$0x3F9E];
	_ =	swait.ge [sflag:s4], $0x0  }
0x19: {  	s7 =	sld [smem:$0x3F9F]  }
0x1a: {  	s8 =	sadd.s32 $0xFFFFE003, lr  }
0x1b: {  	s9 =	sadd.s32 $0xFFFFFEF7, lr;
	s5 =	simm.s32 $0xFFFFFFFF;
	p2 =	slt.u32 s8, $0xFFFFF086  }
0x1c: {  	p1 =	slt.u32 s9, $0xF7A;
	s5 =	simm.s32 @!p2 $0x0  }
0x1d: {  	s5 =	simm.s32 @p1 $0x1;
	p0 =	seq.s32 s7, s2  }
0x1e: {  	s7 =	smul.u32 @!p0 $0xF7A, s2;
	p2 =	seq.s32 @!p0 s5, $0x0  }
0x1f: {  	s9 =	smul.u32 $0xF7A, s1;
	s8 =	simm.s32 @!p0 $0x1BF5;
	p2 =	por !p2, p0  }
0x20: {  	[sflag:s8] =	ssyncset.s32 @!p0 $0xFFFFF086;
	s6 =	sadd.s32 @!p0 s3, s7;
	s7 =	simm.s32 @!p0 $0x108  }
0x21: {  	s3 =	sadd.s32 s3, s9;
	s6 =	sadd.s32 @!p0 $0x88, s6;
	s7 =	simm.s32 @p2 $0x1082  }
0x22: {  	[simem:s7], [sflag:s8] =	dma.local @!p0 [hbm:s6], $0xF7A  }
0x23: {  	s9 =	sor.u32 $0xD0000000, s2;
	s6 =	simm.s32 $0x108;
	_ =	swait.ge @!p0 [sflag:s8], $0x0  }
0x24: {  	s3 =	sadd.s32 $0x88, s3;
	s6 =	simm.s32 @!p1 $0x1082;
	[sflag:s4] =	ssyncset.s32 $0xFFFFF086  }
0x25: {  	[simem:s6], [sflag:s4] =	dma.local [hbm:s3], $0xF7A  }
0x26: {  	[smem:$0x3F9F] =	sst s1;
	(tag) =	ssettag s2;
	_ =	strace s9  }
0x27: {  	s1 =	sld [smem:$0x3FAF]  }
0x28: {  	s2 =	sld [smem:$0x3FB0]  }
0x29: {  	s4 =	sld [smem:$0x3FB2]  }
0x2a: {  	p0 =	seq.s32 s5, $0x0;
	s5 =	sld [smem:$0x3FB3]  }
0x2b: {  	s6 =	sld [smem:$0x3FB4]  }
0x2c: {  	s7 =	sld [smem:$0x3FB5]  }
0x2d: {  	s3 =	simm.s32 $0x108;
	s8 =	sld [smem:$0x3FB6]  }
0x2e: {  	s3 =	simm.s32 @!p0 $0x1082;
	s9 =	sld [smem:$0x3FB7]  }
0x2f: {  	lr =	sadd.s32 s0, s3;
	s0 =	sld [smem:$0x3FAE]  }
0x30: {  	s3 =	sld [smem:$0x3FB1]  }
0x31: {  	[smem:$0x3FBA] =	sst s10  }
0x32: {  	s10 =	sld [smem:$0x3FB8];
	_ =	sdelay $0x3  }
0x33: {  	p0 =	seq.s32 s10, $0x1;
	s10 =	sld [smem:$0x3FBA];
	_ =	sdelay $0x3  }
0x34: {  	[smem:$0x3FBA] =	sst s10  }
0x35: {  	s10 =	sld [smem:$0x3FB9];
	_ =	sdelay $0x3  }
0x36: {  	p1 =	seq.s32 s10, $0x1;
	s10 =	sld [smem:$0x3FBA];
	_ =	sdelay $0x3  }
0x37: {  	[smem:$0x3FBA] =	sst s10  }
0x38: {  	s10 =	sld [smem:$0x3FBB]  }
0x39: {  	_ = 	snop;
	(pc) =	sbr.ind lr, $3  }
0x3a: {  	_ = 	snop  }
0x3b: {  	_ = 	snop  }
0x3c: {  	p2 =	seq.s32 s10, $0x1;
	s10 =	sld [smem:$0x3FBA]  }
0x3d: {  	_ =	shalt  }
0x3e: {  	_ =	shalt  }
0x3f: {  	_ =	shalt  }
0x40: {  	_ =	shalt  }
0x41: {  	_ =	shalt  }
0x42: {  	_ =	shalt  }
0x43: {  	_ =	shalt  }
0x44: {  	_ =	shalt  }
0x45: {  	_ =	shalt  }
0x46: {  	_ =	shalt  }
0x47: {  	_ =	shalt  }
0x48: {  	_ =	shalt  }
0x49: {  	_ =	shalt  }
0x4a: {  	_ =	shalt  }
0x4b: {  	_ =	shalt  }
0x4c: {  	_ =	shalt  }
0x4d: {  	_ =	shalt  }
0x4e: {  	_ =	shalt  }
0x4f: {  	_ =	shalt  }
0x50: {  	_ =	shalt  }
0x51: {  	_ =	shalt  }
0x52: {  	_ =	shalt  }
0x53: {  	_ =	shalt  }
0x54: {  	_ =	shalt  }
0x55: {  	_ =	shalt  }
0x56: {  	_ =	shalt  }
0x57: {  	_ =	shalt  }
0x58: {  	_ =	shalt  }
0x59: {  	_ =	shalt  }
0x5a: {  	_ =	shalt  }
0x5b: {  	_ =	shalt  }
0x5c: {  	_ =	shalt  }
0x5d: {  	_ =	shalt  }
0x5e: {  	_ =	shalt  }
0x5f: {  	_ =	shalt  }
0x60: {  	_ =	shalt  }
0x61: {  	_ =	shalt  }
0x62: {  	_ =	shalt  }
0x63: {  	_ =	shalt  }
0x64: {  	_ =	shalt  }
0x65: {  	_ =	shalt  }
0x66: {  	_ =	shalt  }
0x67: {  	_ =	shalt  }
0x68: {  	_ =	shalt  }
0x69: {  	_ =	shalt  }
0x6a: {  	_ =	shalt  }
0x6b: {  	_ =	shalt  }
0x6c: {  	_ =	shalt  }
0x6d: {  	_ =	shalt  }
0x6e: {  	_ =	shalt  }
0x6f: {  	_ =	shalt  }
0x70: {  	_ =	shalt  }
0x71: {  	_ =	shalt  }
0x72: {  	_ =	shalt  }
0x73: {  	_ =	shalt  }
0x74: {  	_ =	shalt  }
0x75: {  	_ =	shalt  }
0x76: {  	_ =	shalt  }
0x77: {  	_ =	shalt  }
0x78: {  	_ =	shalt  }
0x79: {  	_ =	shalt  }
0x7a: {  	_ =	shalt  }
0x7b: {  	_ =	shalt  }
0x7c: {  	_ =	shalt  }
0x7d: {  	_ =	shalt  }
0x7e: {  	_ =	shalt  }
0x7f: {  	_ =	shalt  }
0x80: {  	_ =	shalt  }
0x81: {  	_ =	shalt  }
0x82: {  	_ =	shalt  }
0x83: {  	_ =	shalt  }
0x84: {  	_ =	shalt  }
0x85: {  	_ =	shalt  }
0x86: {  	_ =	shalt  }
0x87: {  	_ =	shalt  }
.Lfunc_end0:
.L_simem_size_0:
called_computation.1_lowered:
.L_overlay_start_0:
0x88: {  	s2 =	sld [smem:$0x3FD9]  }
0x89: {  	s3 =	sld [smem:$0x3FFE];
	_ =	sdelay $0x1  }
0x8a: {  	s1 =	srdreg.scid  }
0x8b: {  	s0 =	sand.u32 $0x1, s1  }
0x8c: {  	s17 =	sshll.u32 s0, $0xA;
	s2 =	sadd.s32 s3, s2  }
0x8d: {  	s2 =	sadd.s32 s2, s17  }
0x8e: {  	[smem:$0x3FC6] =	sst s2  }
0x8f: {  	_ = 	snop  }
0x90: {  	(tm) =	ssettm $0x1  }
0x91: {  	s18 =	sld [smem:$0x3FFB];
	_ =	sdelay $0x3  }
0x92: {  	_ =	strace s18  }
0x93: {  	s2 =	sld [smem:$0x3FFC];
	_ =	sdelay $0x3  }
0x94: {  	_ =	strace s2  }
0x95: {  	s2 =	sld [smem:$0x3FFD];
	_ =	sdelay $0x3  }
0x96: {  	_ =	strace s2  }
0x97: {  	_ =	strace $0x8FFFFFFF  }
0x98: {  	s19 =	sld [smem:$0x3FDB];
	_ =	sdelay $0x1  }
0x99: {  	s20 =	simm.s32 $_scs_section_size  }
0x9a: {  	s4 =	simm.s32 $_size__tile_overlayer_lowered;
	s5 =	simm.s32 $_tile_overlayer_lowered  }
0x9b: {  	s6 =	simm.s32 $0x1BFF;
	s21 =	sshll.u32 s5, $0x1;
	s3 =	sadd.s32 s20, s19  }
0x9c: {  	s22 =	simm.s32 $0x0;
	s4 =	sshll.u32 s4, $0x1;
	s5 =	sadd.s32 s21, s3  }
0x9d: {  	[timem:s22], [sflag:s6] =	dma.local [hbm:s5], s4  }
0x9e: {  	_ =	swait.ge [sflag:s6], s4  }
0x9f: {  	s4 =	ssub.s32 $0x0, s4;
	[sflag:s6] =	ssyncset.done $0x0  }
0xa0: {  	[sflag:s6] =	ssyncadd.s32 s4;
	_ =	sdelay $0x1  }
0xa1: {  	s23 =	simm.s32 $0x1B8B  }
0xa2: {  	_ =	swait.ge [sflag:s23], $0x1  }
0xa3: {  	[sflag:s23] =	ssyncset.done $0x0  }
0xa4: {  	[sflag:s23] =	ssyncadd.s32 $0xFFFFFFFF  }
0xa5: {  	s4 =	sld [smem:$0x0]  }
0xa6: {  	s5 =	sand.u32 $0xFFFFFFFE, s1  }
0xa7: {  	p0 =	sne.s32 s1, s5  }
0xa8: {  	s5 =	sshll.u32 @p0 s5, $0xE  }
0xa9: {  	s5 =	sadd.s32 @p0 $0x11B8D, s5;
	s6 =	sshll.u32 @p0 s4, $0x11  }
0xaa: {  	s5 =	sor.u32 @p0 s6, s5  }
0xab: {  	[sflag:s5] =	ssyncadd.remote.s32 @p0 $0x1;
	_ =	sdelay $0x1  }
0xac: {  	s5 =	simm.s32 @p0 $0x1B8D  }
0xad: {  	_ =	swait.eq @p0 [sflag:s5], $0x1  }
0xae: {  	[sflag:s5] =	ssyncadd.s32 @p0 $0xFFFFFFFF  }
0xaf: {  	s6 =	sshll.u32 @!p0 s1, $0xE  }
0xb0: {  	s6 =	sor.u32 @!p0 $0x4000, s6;
	s5 =	simm.s32 @!p0 $0x1B8D  }
0xb1: {  	s4 =	sshll.u32 @!p0 s4, $0x11;
	s6 =	sadd.s32 @!p0 $0x11B8D, s6;
	_ =	swait.eq @!p0 [sflag:s5], $0x1  }
0xb2: {  	s4 =	sor.u32 @!p0 s4, s6;
	[sflag:s5] =	ssyncadd.s32 @!p0 $0xFFFFFFFF  }
0xb3: {  	s25 =	simm.s32 $0x1B8E;
	s24 =	sld [smem:$0x3FFE];
	[sflag:s4] =	ssyncadd.remote.s32 @!p0 $0x1  }
0xb4: {  	s26 =	simm.s32 $execute0_lowered;
	[smem:$0x3FD2] =	sst s25  }
0xb5: {  	s5 =	sshll.u32 s26, $0x1;
	_ =	strace $0x80000049;
	[dreg:$0x1] =	wrdreg $0xFFFFFFFF  }
0xb6: {  	s28 =	simm.s32 $_size_execute0_lowered;
	s3 =	sadd.s32 s3, s5;
	[dreg:$0x0] =	wrdreg $0x0  }
0xb7: {  	s5 =	sshll.u32 s28, $0x1;
	[dreg:$0x2] =	wrdreg s3  }
0xb8: {  	[dreg:$0x3] =	wrdreg s5  }
0xb9: {  	[dreg:$0x4] =	wrdreg $0xC0  }
0xba: {  	_ =	task [dreg:s22], $0x5FFFF  }
0xbb: {  	[dreg:$0x1] =	wrdreg $0xFFFFFFFF  }
0xbc: {  	[dreg:$0x0] =	wrdreg $0x60  }
0xbd: {  	[dreg:$0x2] =	wrdreg s24  }
0xbe: {  	[dreg:$0x3] =	wrdreg $0xA  }
0xbf: {  	_ =	task.clear_ibuf [dreg:s22], $0x4FFFF;
	_ =	strace $0x90000049  }
0xc0: {  	s29 =	simm.s32 $0xA;
	_ =	strace $0x8000004B  }
0xc1: {  	_ =	swait.ge [sflag:s29], $0x1  }
0xc2: {  	[sflag:s29] =	ssyncadd.s32 $0xFFFFFFFF  }
0xc3: {  	_ =	strace $0x9000004B  }
0xc4: {  	_ =	sfence  }
0xc5: {  	s30 =	sld [smem:$0x0];
	_ =	sdelay $0x2  }
0xc6: {  	s31 =	sshll.u32 s1, $0xD;
	s1 =	sshrl.u32 s1, $0x2  }
0xc7: {  	s4 =	sand.u32 $0x4000, s31;
	s1 =	sadd.s32 s1, s30  }
0xc8: {  	s0 =	sor.u32 s4, s0;
	s1 =	sshll.u32 s1, $0x11  }
0xc9: {  	s0 =	sor.u32 s1, s0  }
0xca: {  	s0 =	sadd.s32 $0x8F2B, s0  }
0xcb: {  	[sflag:s0] =	ssyncadd.remote.s32 $0x1  }
0xcc: {  	_ =	sfence.sel $0xFFFF  }
0xcd: {  	[dreg:$0x0] =	wrdreg $0xFFFFFFFF;
	(pc) =	sbr.abs _section_cstart, $3  }
0xce: {  	[dreg:$0x1] =	wrdreg $0xFFFFFFFF  }
0xcf: {  	_ =	task.clear_ibuf [dreg:s22], $0x2FFFF;
	_ =	strace $0x9FFFFFFF  }
0xd0: {  	(tm) =	ssettm $0x7FFFFFFF  }
0xd1: {  	_ =	shalt  }
tec
execute0_lowered:
.L_overlay_start_1:
0x0: {  	(tag) =	ssettag $0x1  }
0x1: {  	s12 =	stileid.u32  }
0x2: {  	s0 =	rddreg [dreg:$0x0];
	s20 =	smul.u32 $0x32000, s12  }
0x3: {  	s1 =	srdreg.scid;
	s2 =	simm.s32 $0x0;
	s23 =	smul.u32 $0x190000, s12  }
0x4: {  	s28 =	simm.s32 $0x4800;
	s1 =	sand.u32 $0x1, s1;
	s24 =	smul.u32 $0x3200, s12  }
0x5: {  	s29 =	simm.s32 $0x600;
	s3 =	sshll.u32 s12, $0x1;
	s21 =	smul.u32 $0x19000, s1  }
0x6: {  	s30 =	simm.s32 $0x6800;
	s5 =	sor.u32 s1, s3;
	s11 =	smul.u32 $0xC8000, s1  }
0x7: {  	s31 =	simm.s32 $0x1;
	[smem:$0x7FF] =	sst s2;
	s7 =	smul.u32 $0xC800, s5  }
0x8: {  	s8 =	sadd.s32 $0x800, s0;
	s4 =	sadd.s32 $0x56CE00, s0;
	s10 =	smul.u32 $0x1900, s5  }
0x9: {  	_ =	strace $0x8000004A;
	s6 =	ssub.s32 $0x2, s1;
	s16 =	smul.u32 $0x19000, s5  }
0xa: {  	s3 =	sadd.s32 $0x64800, s0;
	s9 =	sshrl.u32 s6, $0x1;
	s5 =	smul.u32 $0xC8000, s5  }
0xb: {  	s1 =	smul.u32 $0x1900, s1;
	s25 =	ssub.s32 s6, s9;
	s26 =	sadd.s32 s8, s10  }
0xc: {  	s7 =	sshrl.u32 s7, $0x3;
	s5 =	sshrl.u32 s5, $0x3;
	s0 =	smax.u32 s25, $0x1  }
0xd: {  	s25 =	sadd.s32 s20, s4;
	s10 =	sadd.s32 $0x32000, s26;
	s17 =	sadd.s32 s8, s7  }
0xe: {  	s5 =	sadd.s32 s4, s5;
	[dreg:$0x7] =	wrdreg s0;
	s13 =	sadd.s32 $0x33880, s26  }
0xf: {  	s6 =	sadd.s32 s21, s25;
	s0 =	sadd.s32 s11, s23;
	s21 =	simm.s32 $0x400  }
0x10: {  	s23 =	simm.s32 $0x200;
	[dreg:$0x2] =	wrdreg s10;
	s7 =	sadd.s32 $0x32080, s17  }
0x11: {  	s25 =	simm.s32 $0x2800;
	s18 =	sadd.s32 $0x32100, s17;
	[dreg:$0x3] =	wrdreg s7  }
0x12: {  	s10 =	sadd.s32 $0x32180, s17;
	s22 =	sadd.s32 $0x18000, s5;
	[dreg:$0x4] =	wrdreg s18  }
0x13: {  	s15 =	sadd.s32 $0x17000, s5;
	s5 =	sadd.s32 s24, s8;
	[dreg:$0x6] =	wrdreg s10  }
0x14: {  	s24 =	simm.s32 $0x800;
	s7 =	sadd.s32 s4, s16;
	[dreg:$0x8] =	wrdreg s22  }
0x15: {  	s16 =	sadd.s32 $0x33800, s26;
	s18 =	sadd.s32 $0x1800, s6;
	s26 =	sadd.s32 s1, s5  }
0x16: {  	s22 =	simm.s32 $0x5;
	s1 =	simm.s32 $0x3;
	s5 =	simm.s32 $0x4  }
0x17: {  	s6 =	simm.s32 $0x0;
	s19 =	sadd.s32 $0x800, s7;
	s14 =	sadd.s32 $0x18800, s7  }
0x18: {  	s17 =	sadd.s32 $0x17800, s7;
	s20 =	sadd.s32 $0x32200, s26;
	s26 =	simm.s32 $0x6  }
0x19: {  	[dreg:$0x5] =	wrdreg s19;
	s19 =	sadd.s32 $0x8000, s0;
	s0 =	simm.s32 $0x2  }
.LBB2_1:
0x1a: {  	s8 =	rddreg [dreg:$0x2]  }
0x1b: {  	[tilespmem:s2], [sflag:$0x5] =	stream.linear.gather [hbm4b:s8+s2], $0x400, $0x38;
	[tilespmem:$0x8800] =	vst v63  }
0x1c: {  	s11 =	rddreg [dreg:$0x3]  }
0x1d: {  	[tilespmem:s21], [sflag:$0x6] =	stream.linear.gather [hbm4b:s11+s2], $0x400, $0x38;
	[tilespmem:$0x8800] =	vst v63  }
0x1e: {  	_ =	swait.ge [sflag:s22], $0x400  }
0x1f: {  	[sflag:s22] =	ssyncset.done $0x0  }
0x20: {  	[sflag:s22] =	ssyncadd.s32 $0xFFFFFC00  }
0x21: {  	[tilespmem:s24], [sflag:$0x1] =	stream.indirect.gather [hbm4b:s3+s23], $0x10, s2, s23, $0xb8;
	[tilespmem:$0x8800] =	vst v63  }
0x22: {  	_ = 	snop  }
0x23: {  	[tilespmem:s25], [sflag:$0x1] =	stream.indirect.gather [hbm4b:s3+s23], $0x10, s23, s23, $0xb8;
	[tilespmem:$0x8800] =	vst v63  }
0x24: {  	_ =	swait.ge [sflag:s26], $0x400  }
0x25: {  	[sflag:s26] =	ssyncset.done $0x0  }
0x26: {  	[sflag:s26] =	ssyncadd.s32 $0xFFFFFC00  }
0x27: {  	[tilespmem:s28], [sflag:$0x2] =	stream.indirect.gather [hbm4b:s3+s23], $0x10, s21, s23, $0xb8;
	[tilespmem:$0x8800] =	vst v63  }
0x28: {  	_ = 	snop  }
0x29: {  	[tilespmem:s30], [sflag:$0x2] =	stream.indirect.gather [hbm4b:s3+s23], $0x10, s29, s23, $0xb8;
	[tilespmem:$0x8800] =	vst v63  }
0x2a: {  	_ =	swait.ge [sflag:s31], $0x4000  }
0x2b: {  	[sflag:s31] =	ssyncset.done $0x0  }
0x2c: {  	[sflag:s31] =	ssyncadd.s32 $0xFFFFC000  }
0x2d: {  	[hbm4b:s7+s2] =	stream.linear.scatter [tilespmem:s24], [sflag:$0x3], $0x4000, $0x38;
	[tilespmem:$0x8800] =	vst v63  }
0x2e: {  	s12 =	rddreg [dreg:$0x4]  }
0x2f: {  	[tilespmem:s2], [sflag:$0x5] =	stream.linear.gather [hbm4b:s12+s2], $0x400, $0x38;
	[tilespmem:$0x8800] =	vst v63  }
0x30: {  	_ =	swait.ge [sflag:s0], $0x4000  }
0x31: {  	[sflag:s0] =	ssyncset.done $0x0  }
0x32: {  	s9 =	rddreg [dreg:$0x5];
	[sflag:s0] =	ssyncadd.s32 $0xFFFFC000  }
0x33: {  	[hbm4b:s9+s2] =	stream.linear.scatter [tilespmem:s28], [sflag:$0x4], $0x4000, $0x38;
	[tilespmem:$0x8800] =	vst v63  }
0x34: {  	s10 =	rddreg [dreg:$0x6]  }
0x35: {  	[tilespmem:s21], [sflag:$0x6] =	stream.linear.gather [hbm4b:s10+s2], $0x400, $0x38;
	[tilespmem:$0x8800] =	vst v63  }
0x36: {  	_ =	swait.ge [sflag:s1], $0x4000  }
0x37: {  	[sflag:s1] =	ssyncset.done $0x0  }
0x38: {  	[sflag:s1] =	ssyncadd.s32 $0xFFFFC000  }
0x39: {  	_ =	swait.ge [sflag:s22], $0x400  }
0x3a: {  	[sflag:s22] =	ssyncset.done $0x0  }
0x3b: {  	[sflag:s22] =	ssyncadd.s32 $0xFFFFFC00  }
0x3c: {  	[tilespmem:s24], [sflag:$0x1] =	stream.indirect.gather [hbm4b:s3+s23], $0x10, s2, s23, $0xb8;
	[tilespmem:$0x8800] =	vst v63  }
0x3d: {  	_ = 	snop  }
0x3e: {  	[tilespmem:s25], [sflag:$0x1] =	stream.indirect.gather [hbm4b:s3+s23], $0x10, s23, s23, $0xb8;
	[tilespmem:$0x8800] =	vst v63  }
0x3f: {  	_ =	swait.ge [sflag:s5], $0x4000  }
0x40: {  	[sflag:s5] =	ssyncset.done $0x0  }
0x41: {  	[sflag:s5] =	ssyncadd.s32 $0xFFFFC000  }
0x42: {  	_ =	swait.ge [sflag:s26], $0x400  }
0x43: {  	[sflag:s26] =	ssyncset.done $0x0  }
0x44: {  	[sflag:s26] =	ssyncadd.s32 $0xFFFFFC00  }
0x45: {  	[tilespmem:s28], [sflag:$0x2] =	stream.indirect.gather [hbm4b:s3+s23], $0x10, s21, s23, $0xb8;
	[tilespmem:$0x8800] =	vst v63  }
0x46: {  	_ = 	snop  }
0x47: {  	[tilespmem:s30], [sflag:$0x2] =	stream.indirect.gather [hbm4b:s3+s23], $0x10, s29, s23, $0xb8;
	[tilespmem:$0x8800] =	vst v63  }
0x48: {  	_ =	swait.ge [sflag:s31], $0x4000  }
0x49: {  	s11 =	sshrl.u32 s19, $0x3;
	[sflag:s31] =	ssyncset.done $0x0  }
0x4a: {  	s8 =	sadd.s32 s4, s11;
	[sflag:s31] =	ssyncadd.s32 $0xFFFFC000  }
0x4b: {  	[hbm4b:s8+s2] =	stream.linear.scatter [tilespmem:s24], [sflag:$0x3], $0x4000, $0x38;
	[tilespmem:$0x8800] =	vst v63  }
0x4c: {  	_ = 	snop  }
0x4d: {  	[tilespmem:s2], [sflag:$0x5] =	stream.linear.gather [hbm4b:s20+s2], $0x400, $0x38;
	[tilespmem:$0x8800] =	vst v63  }
0x4e: {  	s11 =	sadd.s32 $0x80, s20;
	_ =	swait.ge [sflag:s0], $0x4000  }
0x4f: {  	s12 =	sadd.s32 $0x0, s18;
	s9 =	sadd.s32 $0x8000, s19;
	[sflag:s0] =	ssyncset.done $0x0  }
0x50: {  	s10 =	sadd.s32 $0x100, s20;
	s8 =	simm.s32 $0x1000;
	[sflag:s0] =	ssyncadd.s32 $0xFFFFC000  }
0x51: {  	[hbm4b:s12+s2] =	stream.linear.scatter [tilespmem:s28], [sflag:$0x4], $0x4000, $0x38;
	[tilespmem:$0x8800] =	vst v63  }
.LBB2_2:
0x52: {  	[tilespmem:s21], [sflag:$0x6] =	stream.linear.gather [hbm4b:s11+s2], $0x400, $0x38;
	[tilespmem:$0x8800] =	vst v63  }
0x53: {  	s11 =	smov.u32 s8  }
0x54: {  	p0 =	sne.s32 s8, $0x15000;
	s8 =	sadd.s32 $0x1000, s8;
	_ =	swait.ge [sflag:s1], $0x4000  }
0x55: {  	[sflag:s1] =	ssyncset.done $0x0  }
0x56: {  	[sflag:s1] =	ssyncadd.s32 $0xFFFFC000  }
0x57: {  	_ =	swait.ge [sflag:s22], $0x400  }
0x58: {  	[sflag:s22] =	ssyncset.done $0x0  }
0x59: {  	[sflag:s22] =	ssyncadd.s32 $0xFFFFFC00  }
0x5a: {  	[tilespmem:s24], [sflag:$0x1] =	stream.indirect.gather [hbm4b:s3+s23], $0x10, s2, s23, $0xb8;
	[tilespmem:$0x8800] =	vst v63  }
0x5b: {  	_ = 	snop  }
0x5c: {  	[tilespmem:s25], [sflag:$0x1] =	stream.indirect.gather [hbm4b:s3+s23], $0x10, s23, s23, $0xb8;
	[tilespmem:$0x8800] =	vst v63  }
0x5d: {  	_ =	swait.ge [sflag:s5], $0x4000  }
0x5e: {  	[sflag:s5] =	ssyncset.done $0x0  }
0x5f: {  	[sflag:s5] =	ssyncadd.s32 $0xFFFFC000  }
0x60: {  	_ =	swait.ge [sflag:s26], $0x400  }
0x61: {  	[sflag:s26] =	ssyncset.done $0x0  }
0x62: {  	[sflag:s26] =	ssyncadd.s32 $0xFFFFFC00  }
0x63: {  	[tilespmem:s28], [sflag:$0x2] =	stream.indirect.gather [hbm4b:s3+s23], $0x10, s21, s23, $0xb8;
	[tilespmem:$0x8800] =	vst v63  }
0x64: {  	_ = 	snop  }
0x65: {  	[tilespmem:s30], [sflag:$0x2] =	stream.indirect.gather [hbm4b:s3+s23], $0x10, s29, s23, $0xb8;
	[tilespmem:$0x8800] =	vst v63  }
0x66: {  	_ =	swait.ge [sflag:s31], $0x4000  }
0x67: {  	s12 =	sshrl.u32 s9, $0x3;
	[sflag:s31] =	ssyncset.done $0x0  }
0x68: {  	s12 =	sadd.s32 s4, s12;
	[sflag:s31] =	ssyncadd.s32 $0xFFFFC000  }
0x69: {  	[hbm4b:s12+s2] =	stream.linear.scatter [tilespmem:s24], [sflag:$0x3], $0x4000, $0x38;
	[tilespmem:$0x8800] =	vst v63  }
0x6a: {  	_ = 	snop  }
0x6b: {  	[tilespmem:s2], [sflag:$0x5] =	stream.linear.gather [hbm4b:s10+s2], $0x400, $0x38;
	[tilespmem:$0x8800] =	vst v63  }
.Ltmp0:
0x6c: {  	_ =	swait.ge [sflag:s0], $0x4000;
	(pc) =	sbr.rel @p0 .LBB2_2-.Ltmp0, $4  }
0x6d: {  	[sflag:s0] =	ssyncset.done $0x0  }
0x6e: {  	s11 =	sadd.s32 s11, s18;
	[sflag:s0] =	ssyncadd.s32 $0xFFFFC000  }
0x6f: {  	[hbm4b:s11+s2] =	stream.linear.scatter [tilespmem:s28], [sflag:$0x4], $0x4000, $0x38;
	[tilespmem:$0x8800] =	vst v63  }
0x70: {  	s9 =	sadd.s32 $0x8000, s9;
	s11 =	sadd.s32 $0x80, s10;
	s10 =	sadd.s32 $0x100, s10  }
0x71: {  	[tilespmem:s21], [sflag:$0x6] =	stream.linear.gather [hbm4b:s11+s2], $0x400, $0x38;
	[tilespmem:$0x8800] =	vst v63  }
0x72: {  	_ =	swait.ge [sflag:s1], $0x4000  }
0x73: {  	[sflag:s1] =	ssyncset.done $0x0  }
0x74: {  	[sflag:s1] =	ssyncadd.s32 $0xFFFFC000  }
0x75: {  	_ =	swait.ge [sflag:s22], $0x400  }
0x76: {  	[sflag:s22] =	ssyncset.done $0x0  }
0x77: {  	[sflag:s22] =	ssyncadd.s32 $0xFFFFFC00  }
0x78: {  	[tilespmem:s24], [sflag:$0x1] =	stream.indirect.gather [hbm4b:s3+s23], $0x10, s2, s23, $0xb8;
	[tilespmem:$0x8800] =	vst v63  }
0x79: {  	_ = 	snop  }
0x7a: {  	[tilespmem:s25], [sflag:$0x1] =	stream.indirect.gather [hbm4b:s3+s23], $0x10, s23, s23, $0xb8;
	[tilespmem:$0x8800] =	vst v63  }
0x7b: {  	_ =	swait.ge [sflag:s5], $0x4000  }
0x7c: {  	[sflag:s5] =	ssyncset.done $0x0  }
0x7d: {  	[sflag:s5] =	ssyncadd.s32 $0xFFFFC000  }
0x7e: {  	_ =	swait.ge [sflag:s26], $0x400  }
0x7f: {  	[sflag:s26] =	ssyncset.done $0x0  }
0x80: {  	[sflag:s26] =	ssyncadd.s32 $0xFFFFFC00  }
0x81: {  	[tilespmem:s28], [sflag:$0x2] =	stream.indirect.gather [hbm4b:s3+s23], $0x10, s21, s23, $0xb8;
	[tilespmem:$0x8800] =	vst v63  }
0x82: {  	_ = 	snop  }
0x83: {  	[tilespmem:s30], [sflag:$0x2] =	stream.indirect.gather [hbm4b:s3+s23], $0x10, s29, s23, $0xb8;
	[tilespmem:$0x8800] =	vst v63  }
0x84: {  	_ =	swait.ge [sflag:s31], $0x4000  }
0x85: {  	[sflag:s31] =	ssyncset.done $0x0  }
0x86: {  	[sflag:s31] =	ssyncadd.s32 $0xFFFFC000  }
0x87: {  	[hbm4b:s15+s2] =	stream.linear.scatter [tilespmem:s24], [sflag:$0x3], $0x4000, $0x38;
	[tilespmem:$0x8800] =	vst v63  }
0x88: {  	_ = 	snop  }
0x89: {  	[tilespmem:s2], [sflag:$0x5] =	stream.linear.gather [hbm4b:s16+s2], $0x400, $0x38;
	[tilespmem:$0x8800] =	vst v63  }
0x8a: {  	_ =	swait.ge [sflag:s0], $0x4000  }
0x8b: {  	[sflag:s0] =	ssyncset.done $0x0  }
0x8c: {  	[sflag:s0] =	ssyncadd.s32 $0xFFFFC000  }
0x8d: {  	[hbm4b:s17+s2] =	stream.linear.scatter [tilespmem:s28], [sflag:$0x4], $0x4000, $0x38;
	[tilespmem:$0x8800] =	vst v63  }
0x8e: {  	_ = 	snop  }
0x8f: {  	[tilespmem:s21], [sflag:$0x6] =	stream.linear.gather [hbm4b:s13+s2], $0x400, $0x38;
	[tilespmem:$0x8800] =	vst v63  }
0x90: {  	_ =	swait.ge [sflag:s1], $0x4000  }
0x91: {  	[sflag:s1] =	ssyncset.done $0x0  }
0x92: {  	[sflag:s1] =	ssyncadd.s32 $0xFFFFC000  }
0x93: {  	_ =	swait.ge [sflag:s22], $0x400  }
0x94: {  	[sflag:s22] =	ssyncset.done $0x0  }
0x95: {  	[sflag:s22] =	ssyncadd.s32 $0xFFFFFC00  }
0x96: {  	[tilespmem:s24], [sflag:$0x1] =	stream.indirect.gather [hbm4b:s3+s23], $0x10, s2, s23, $0xb8;
	[tilespmem:$0x8800] =	vst v63  }
0x97: {  	_ = 	snop  }
0x98: {  	[tilespmem:s25], [sflag:$0x1] =	stream.indirect.gather [hbm4b:s3+s23], $0x10, s23, s23, $0xb8;
	[tilespmem:$0x8800] =	vst v63  }
0x99: {  	_ =	swait.ge [sflag:s5], $0x4000  }
0x9a: {  	[sflag:s5] =	ssyncset.done $0x0  }
0x9b: {  	[sflag:s5] =	ssyncadd.s32 $0xFFFFC000  }
0x9c: {  	_ =	swait.ge [sflag:s26], $0x400  }
0x9d: {  	[sflag:s26] =	ssyncset.done $0x0  }
0x9e: {  	[sflag:s26] =	ssyncadd.s32 $0xFFFFFC00  }
0x9f: {  	[tilespmem:s28], [sflag:$0x2] =	stream.indirect.gather [hbm4b:s3+s23], $0x10, s21, s23, $0xb8;
	[tilespmem:$0x8800] =	vst v63  }
0xa0: {  	_ = 	snop  }
0xa1: {  	[tilespmem:s30], [sflag:$0x2] =	stream.indirect.gather [hbm4b:s3+s23], $0x10, s29, s23, $0xb8;
	[tilespmem:$0x8800] =	vst v63  }
0xa2: {  	_ =	swait.ge [sflag:s31], $0x4000  }
0xa3: {  	[sflag:s31] =	ssyncset.done $0x0  }
0xa4: {  	s8 =	rddreg [dreg:$0x8];
	[sflag:s31] =	ssyncadd.s32 $0xFFFFC000  }
0xa5: {  	[hbm4b:s8+s2] =	stream.linear.scatter [tilespmem:s24], [sflag:$0x3], $0x4000, $0x38;
	[tilespmem:$0x8800] =	vst v63  }
0xa6: {  	_ = 	snop  }
0xa7: {  	[tilespmem:s2], [sflag:$0x5] =	stream.linear.gather [hbm4b:s13+s2], $0x400, $0x38;
	[tilespmem:$0x8800] =	vst v63  }
0xa8: {  	_ =	swait.ge [sflag:s0], $0x4000  }
0xa9: {  	[sflag:s0] =	ssyncset.done $0x0  }
0xaa: {  	[sflag:s0] =	ssyncadd.s32 $0xFFFFC000  }
0xab: {  	[hbm4b:s14+s2] =	stream.linear.scatter [tilespmem:s28], [sflag:$0x4], $0x4000, $0x38;
	[tilespmem:$0x8800] =	vst v63  }
0xac: {  	_ = 	snop  }
0xad: {  	[tilespmem:s21], [sflag:$0x6] =	stream.linear.gather [hbm4b:s13+s2], $0x400, $0x38;
	[tilespmem:$0x8800] =	vst v63  }
0xae: {  	_ =	swait.ge [sflag:s1], $0x4000  }
0xaf: {  	[sflag:s1] =	ssyncset.done $0x0  }
0xb0: {  	[sflag:s1] =	ssyncadd.s32 $0xFFFFC000  }
0xb1: {  	_ =	swait.ge [sflag:s22], $0x400  }
0xb2: {  	[sflag:s22] =	ssyncset.done $0x0  }
0xb3: {  	[sflag:s22] =	ssyncadd.s32 $0xFFFFFC00  }
0xb4: {  	_ =	swait.ge [sflag:s5], $0x4000  }
0xb5: {  	[sflag:s5] =	ssyncset.done $0x0  }
0xb6: {  	[sflag:s5] =	ssyncadd.s32 $0xFFFFC000  }
0xb7: {  	_ =	swait.ge [sflag:s26], $0x400  }
0xb8: {  	s6 =	sadd.s32 $0x1, s6;
	s12 =	rddreg [dreg:$0x7]  }
0xb9: {  	p0 =	sne.s32 s6, s12  }
.Ltmp1:
0xba: {  	_ = 	snop;
	(pc) =	sbr.rel @p0 .LBB2_1-.Ltmp1, $3  }
0xbb: {  	_ =	sdelay $0x1  }
0xbc: {  	[sflag:s26] =	ssyncset.done $0x0  }
0xbd: {  	[sflag:s26] =	ssyncadd.s32 $0xFFFFFC00  }
0xbe: {  	_ =	sfence.sel $0x180000  }
0xbf: {  	[bflag:$0x0] =	sbarrier.arrive $0xFFFF  }
0xc0: {  	_ =	strace $0x9000004A  }
0xc1: {  	s0 =	stileid.u32;
	[bflag:$0x2] =	sbarrier.arrive $0xFFFF  }
0xc2: {  	p0 =	sne.s32 s0, $0x0;
	s0 =	rddreg [dreg:$0x1]  }
0xc3: {  	s0 =	sadd.s32 @!p0 $0x100000, s0  }
0xc4: {  	[sflag:s0] =	ssyncadd.tile.s32 @!p0 $0x1;
	_ =	shalt  }
.Lfunc_end2:
_tile_overlayer_lowered:
.L_overlay_start_2:
0xc5: {  	(tag) =	ssettag $0x2  }
0xc6: {  	s0 =	rddreg [dreg:$0x0];
	s2 =	stileid.u32  }
0xc7: {  	s1 =	rddreg [dreg:$0x1];
	p0 =	sne.s32 s2, $0x0  }
0xc8: {  	s3 =	rddreg [dreg:$0x2];
	[bflag:$0x3] =	sbarrier.arrive $0xFFFF;
	s2 =	simm.s32 @!p0 $0x1C07  }
0xc9: {  	[timem:s3], [sflag:s2] =	dma.local @!p0 [hbm:s0], s1  }
0xca: {  	s0 =	simm.s32 @!p0 $0x7  }
0xcb: {  	_ =	swait.ge @!p0 [sflag:s0], s1  }
0xcc: {  	s1 =	ssub.s32 @!p0 $0x0, s1;
	[sflag:s0] =	ssyncset.done @!p0 $0x0  }
0xcd: {  	[sflag:s0] =	ssyncadd.s32 @!p0 s1  }
0xce: {  	[bflag:$0x3] =	sbarrier.arrive $0xFFFF  }
0xcf: {  	_ =	shalt  }

// kernel: kernel.7.cloned.1.call-start
scs
__scs_entry_jumppad:
0x0: {  	(pc) =	sbr.rel $0x88, $3  }
0x1: {  	(tag) =	ssettag $0x0;
	lr =	simm.s32 $0x1  }
0x2: {  	[smem:$0x3F9F] =	sst lr;
	_ =	strace $0xD0000000  }
0x3: {  	_ = 	snop  }
0x4: {  	_ = 	snop  }
0x5: {  	_ = 	snop  }
0x6: {  	_ = 	snop  }
0x7: {  	_ = 	snop  }
__scs_overlays_trampoline_lowered:
0x8: {  	[smem:$0x3FAE] =	sst s0  }
0x9: {  	[smem:$0x3FAF] =	sst s1  }
0xa: {  	[smem:$0x3FB0] =	sst s2  }
0xb: {  	[smem:$0x3FB1] =	sst s3  }
0xc: {  	[smem:$0x3FB2] =	sst s4  }
0xd: {  	[smem:$0x3FB3] =	sst s5  }
0xe: {  	[smem:$0x3FB4] =	sst s6  }
0xf: {  	[smem:$0x3FB5] =	sst s7  }
0x10: {  	[smem:$0x3FB6] =	sst s8  }
0x11: {  	[smem:$0x3FB7] =	sst s9;
	s0 =	simm.s32 @!p0 $0x0  }
0x12: {  	s1 =	sld [smem:$0x3F9D];
	s0 =	simm.s32 @p0 $0x1  }
0x13: {  	[smem:$0x3FB8] =	sst s0;
	s0 =	simm.s32 @!p1 $0x0  }
0x14: {  	s2 =	sld [smem:$0x3F9C];
	s0 =	simm.s32 @p1 $0x1  }
0x15: {  	[smem:$0x3FB9] =	sst s0;
	s0 =	simm.s32 @!p2 $0x0  }
0x16: {  	s3 =	sld [smem:$0x3FDB];
	s0 =	simm.s32 @p2 $0x1  }
0x17: {  	s4 =	simm.s32 $0x1BF5;
	[smem:$0x3FBB] =	sst s0  }
0x18: {  	s0 =	sld [smem:$0x3F9E];
	_ =	swait.ge [sflag:s4], $0x0  }
0x19: {  	s7 =	sld [smem:$0x3F9F]  }
0x1a: {  	s8 =	sadd.s32 $0xFFFFE003, lr  }
0x1b: {  	s9 =	sadd.s32 $0xFFFFFEF7, lr;
	s5 =	simm.s32 $0xFFFFFFFF;
	p2 =	slt.u32 s8, $0xFFFFF086  }
0x1c: {  	p1 =	slt.u32 s9, $0xF7A;
	s5 =	simm.s32 @!p2 $0x0  }
0x1d: {  	s5 =	simm.s32 @p1 $0x1;
	p0 =	seq.s32 s7, s2  }
0x1e: {  	s7 =	smul.u32 @!p0 $0xF7A, s2;
	p2 =	seq.s32 @!p0 s5, $0x0  }
0x1f: {  	s9 =	smul.u32 $0xF7A, s1;
	s8 =	simm.s32 @!p0 $0x1BF5;
	p2 =	por !p2, p0  }
0x20: {  	[sflag:s8] =	ssyncset.s32 @!p0 $0xFFFFF086;
	s6 =	sadd.s32 @!p0 s3, s7;
	s7 =	simm.s32 @!p0 $0x108  }
0x21: {  	s3 =	sadd.s32 s3, s9;
	s6 =	sadd.s32 @!p0 $0x88, s6;
	s7 =	simm.s32 @p2 $0x1082  }
0x22: {  	[simem:s7], [sflag:s8] =	dma.local @!p0 [hbm:s6], $0xF7A  }
0x23: {  	s9 =	sor.u32 $0xD0000000, s2;
	s6 =	simm.s32 $0x108;
	_ =	swait.ge @!p0 [sflag:s8], $0x0  }
0x24: {  	s3 =	sadd.s32 $0x88, s3;
	s6 =	simm.s32 @!p1 $0x1082;
	[sflag:s4] =	ssyncset.s32 $0xFFFFF086  }
0x25: {  	[simem:s6], [sflag:s4] =	dma.local [hbm:s3], $0xF7A  }
0x26: {  	[smem:$0x3F9F] =	sst s1;
	(tag) =	ssettag s2;
	_ =	strace s9  }
0x27: {  	s1 =	sld [smem:$0x3FAF]  }
0x28: {  	s2 =	sld [smem:$0x3FB0]  }
0x29: {  	s4 =	sld [smem:$0x3FB2]  }
0x2a: {  	p0 =	seq.s32 s5, $0x0;
	s5 =	sld [smem:$0x3FB3]  }
0x2b: {  	s6 =	sld [smem:$0x3FB4]  }
0x2c: {  	s7 =	sld [smem:$0x3FB5]  }
0x2d: {  	s3 =	simm.s32 $0x108;
	s8 =	sld [smem:$0x3FB6]  }
0x2e: {  	s3 =	simm.s32 @!p0 $0x1082;
	s9 =	sld [smem:$0x3FB7]  }
0x2f: {  	lr =	sadd.s32 s0, s3;
	s0 =	sld [smem:$0x3FAE]  }
0x30: {  	s3 =	sld [smem:$0x3FB1]  }
0x31: {  	[smem:$0x3FBA] =	sst s10  }
0x32: {  	s10 =	sld [smem:$0x3FB8];
	_ =	sdelay $0x3  }
0x33: {  	p0 =	seq.s32 s10, $0x1;
	s10 =	sld [smem:$0x3FBA];
	_ =	sdelay $0x3  }
0x34: {  	[smem:$0x3FBA] =	sst s10  }
0x35: {  	s10 =	sld [smem:$0x3FB9];
	_ =	sdelay $0x3  }
0x36: {  	p1 =	seq.s32 s10, $0x1;
	s10 =	sld [smem:$0x3FBA];
	_ =	sdelay $0x3  }
0x37: {  	[smem:$0x3FBA] =	sst s10  }
0x38: {  	s10 =	sld [smem:$0x3FBB]  }
0x39: {  	_ = 	snop;
	(pc) =	sbr.ind lr, $3  }
0x3a: {  	_ = 	snop  }
0x3b: {  	_ = 	snop  }
0x3c: {  	p2 =	seq.s32 s10, $0x1;
	s10 =	sld [smem:$0x3FBA]  }
0x3d: {  	_ =	shalt  }
0x3e: {  	_ =	shalt  }
0x3f: {  	_ =	shalt  }
0x40: {  	_ =	shalt  }
0x41: {  	_ =	shalt  }
0x42: {  	_ =	shalt  }
0x43: {  	_ =	shalt  }
0x44: {  	_ =	shalt  }
0x45: {  	_ =	shalt  }
0x46: {  	_ =	shalt  }
0x47: {  	_ =	shalt  }
0x48: {  	_ =	shalt  }
0x49: {  	_ =	shalt  }
0x4a: {  	_ =	shalt  }
0x4b: {  	_ =	shalt  }
0x4c: {  	_ =	shalt  }
0x4d: {  	_ =	shalt  }
0x4e: {  	_ =	shalt  }
0x4f: {  	_ =	shalt  }
0x50: {  	_ =	shalt  }
0x51: {  	_ =	shalt  }
0x52: {  	_ =	shalt  }
0x53: {  	_ =	shalt  }
0x54: {  	_ =	shalt  }
0x55: {  	_ =	shalt  }
0x56: {  	_ =	shalt  }
0x57: {  	_ =	shalt  }
0x58: {  	_ =	shalt  }
0x59: {  	_ =	shalt  }
0x5a: {  	_ =	shalt  }
0x5b: {  	_ =	shalt  }
0x5c: {  	_ =	shalt  }
0x5d: {  	_ =	shalt  }
0x5e: {  	_ =	shalt  }
0x5f: {  	_ =	shalt  }
0x60: {  	_ =	shalt  }
0x61: {  	_ =	shalt  }
0x62: {  	_ =	shalt  }
0x63: {  	_ =	shalt  }
0x64: {  	_ =	shalt  }
0x65: {  	_ =	shalt  }
0x66: {  	_ =	shalt  }
0x67: {  	_ =	shalt  }
0x68: {  	_ =	shalt  }
0x69: {  	_ =	shalt  }
0x6a: {  	_ =	shalt  }
0x6b: {  	_ =	shalt  }
0x6c: {  	_ =	shalt  }
0x6d: {  	_ =	shalt  }
0x6e: {  	_ =	shalt  }
0x6f: {  	_ =	shalt  }
0x70: {  	_ =	shalt  }
0x71: {  	_ =	shalt  }
0x72: {  	_ =	shalt  }
0x73: {  	_ =	shalt  }
0x74: {  	_ =	shalt  }
0x75: {  	_ =	shalt  }
0x76: {  	_ =	shalt  }
0x77: {  	_ =	shalt  }
0x78: {  	_ =	shalt  }
0x79: {  	_ =	shalt  }
0x7a: {  	_ =	shalt  }
0x7b: {  	_ =	shalt  }
0x7c: {  	_ =	shalt  }
0x7d: {  	_ =	shalt  }
0x7e: {  	_ =	shalt  }
0x7f: {  	_ =	shalt  }
0x80: {  	_ =	shalt  }
0x81: {  	_ =	shalt  }
0x82: {  	_ =	shalt  }
0x83: {  	_ =	shalt  }
0x84: {  	_ =	shalt  }
0x85: {  	_ =	shalt  }
0x86: {  	_ =	shalt  }
0x87: {  	_ =	shalt  }
.Lfunc_end0:
.L_simem_size_0:
called_computation_lowered:
.L_overlay_start_0:
0x88: {  	s2 =	sld [smem:$0x3FD9]  }
0x89: {  	s3 =	sld [smem:$0x3FFE];
	_ =	sdelay $0x1  }
0x8a: {  	s1 =	srdreg.scid  }
0x8b: {  	s0 =	sand.u32 $0x1, s1  }
0x8c: {  	s16 =	sshll.u32 s0, $0xA;
	s2 =	sadd.s32 s3, s2  }
0x8d: {  	s2 =	sadd.s32 s2, s16  }
0x8e: {  	[smem:$0x3FC6] =	sst s2  }
0x8f: {  	_ = 	snop  }
0x90: {  	(tm) =	ssettm $0x1  }
0x91: {  	s17 =	sld [smem:$0x3FFB];
	_ =	sdelay $0x3  }
0x92: {  	_ =	strace s17  }
0x93: {  	s2 =	sld [smem:$0x3FFC];
	_ =	sdelay $0x3  }
0x94: {  	_ =	strace s2  }
0x95: {  	s2 =	sld [smem:$0x3FFD];
	_ =	sdelay $0x3  }
0x96: {  	_ =	strace s2  }
0x97: {  	_ =	strace $0x8FFFFFFF  }
0x98: {  	s18 =	sld [smem:$0x3FDB];
	_ =	sdelay $0x1  }
0x99: {  	s19 =	simm.s32 $_scs_section_size  }
0x9a: {  	s4 =	simm.s32 $_size__tile_overlayer_lowered;
	s5 =	simm.s32 $_tile_overlayer_lowered  }
0x9b: {  	s22 =	simm.s32 $0x1BFF;
	s21 =	sshll.u32 s5, $0x1;
	s2 =	sadd.s32 s19, s18  }
0x9c: {  	s6 =	simm.s32 $0x0;
	s20 =	sshll.u32 s4, $0x1;
	s4 =	sadd.s32 s21, s2  }
0x9d: {  	[timem:s6], [sflag:s22] =	dma.local [hbm:s4], s20  }
0x9e: {  	_ =	swait.ge [sflag:s22], s20  }
0x9f: {  	s3 =	ssub.s32 $0x0, s20;
	[sflag:s22] =	ssyncset.done $0x0  }
0xa0: {  	[sflag:s22] =	ssyncadd.s32 s3;
	_ =	sdelay $0x1  }
0xa1: {  	s23 =	simm.s32 $0x1B8B  }
0xa2: {  	_ =	swait.ge [sflag:s23], $0x1  }
0xa3: {  	[sflag:s23] =	ssyncset.done $0x0  }
0xa4: {  	s25 =	simm.s32 $0x1B8E;
	s24 =	sld [smem:$0x3FFE];
	[sflag:s23] =	ssyncadd.s32 $0xFFFFFFFF  }
0xa5: {  	s26 =	simm.s32 $execute0_lowered;
	[smem:$0x3FD2] =	sst s25  }
0xa6: {  	s4 =	sshll.u32 s26, $0x1;
	_ =	strace $0x80000046;
	[dreg:$0x1] =	wrdreg $0xFFFFFFFF  }
0xa7: {  	s28 =	simm.s32 $_size_execute0_lowered;
	s2 =	sadd.s32 s2, s4;
	[dreg:$0x0] =	wrdreg $0x0  }
0xa8: {  	s4 =	sshll.u32 s28, $0x1;
	[dreg:$0x2] =	wrdreg s2  }
0xa9: {  	[dreg:$0x3] =	wrdreg s4  }
0xaa: {  	[dreg:$0x4] =	wrdreg $0xC0  }
0xab: {  	_ =	task [dreg:s6], $0x5FFFF  }
0xac: {  	[dreg:$0x1] =	wrdreg $0xFFFFFFFF  }
0xad: {  	[dreg:$0x0] =	wrdreg $0x60  }
0xae: {  	[dreg:$0x2] =	wrdreg s24  }
0xaf: {  	[dreg:$0x3] =	wrdreg $0x9  }
0xb0: {  	_ =	task.clear_ibuf [dreg:s6], $0x4FFFF;
	_ =	strace $0x90000046  }
0xb1: {  	s29 =	simm.s32 $0x9;
	_ =	strace $0x80000048  }
0xb2: {  	_ =	swait.ge [sflag:s29], $0x1  }
0xb3: {  	[sflag:s29] =	ssyncadd.s32 $0xFFFFFFFF  }
0xb4: {  	_ =	strace $0x90000048  }
0xb5: {  	_ =	sfence  }
0xb6: {  	s30 =	sld [smem:$0x0];
	_ =	sdelay $0x2  }
0xb7: {  	s31 =	sshll.u32 s1, $0xD;
	s1 =	sshrl.u32 s1, $0x2  }
0xb8: {  	s3 =	sand.u32 $0x4000, s31;
	s1 =	sadd.s32 s1, s30  }
0xb9: {  	s0 =	sor.u32 s3, s0;
	s1 =	sshll.u32 s1, $0x11  }
0xba: {  	s0 =	sor.u32 s1, s0  }
0xbb: {  	s0 =	sadd.s32 $0x8F2B, s0  }
0xbc: {  	[sflag:s0] =	ssyncadd.remote.s32 $0x1  }
0xbd: {  	_ =	sfence.sel $0xFFFF  }
0xbe: {  	[dreg:$0x0] =	wrdreg $0xFFFFFFFF;
	(pc) =	sbr.abs _section_cstart, $3  }
0xbf: {  	[dreg:$0x1] =	wrdreg $0xFFFFFFFF  }
0xc0: {  	_ =	task.clear_ibuf [dreg:s6], $0x2FFFF;
	_ =	strace $0x9FFFFFFF  }
0xc1: {  	(tm) =	ssettm $0x7FFFFFFF  }
tec
execute0_lowered:
.L_overlay_start_1:
0x0: {  	(tag) =	ssettag $0x1  }
0x1: {  	s11 =	stileid.u32  }
0x2: {  	s18 =	smul.u32 $0x32000, s11  }
0x3: {  	s1 =	srdreg.scid;
	s22 =	smul.u32 $0x19000, s11  }
0x4: {  	s0 =	rddreg [dreg:$0x0];
	s1 =	sand.u32 $0x1, s1;
	s25 =	smul.u32 $0x190000, s11  }
0x5: {  	s2 =	simm.s32 $0x0;
	s28 =	simm.s32 $0x6;
	s20 =	smul.u32 $0x19000, s1  }
0x6: {  	s29 =	simm.s32 $0x4800;
	s3 =	sshll.u32 s11, $0x1;
	s23 =	smul.u32 $0xC800, s1  }
0x7: {  	s5 =	sor.u32 s1, s3;
	s8 =	ssub.s32 $0x2, s1;
	s1 =	smul.u32 $0xC8000, s1  }
0x8: {  	s30 =	simm.s32 $0x600;
	s31 =	simm.s32 $0x6800;
	s6 =	smul.u32 $0xC800, s5  }
0x9: {  	[smem:$0x7FF] =	sst s2;
	s4 =	sadd.s32 $0x24CE00, s0;
	s9 =	smul.u32 $0x1900, s5  }
0xa: {  	s7 =	sadd.s32 $0x800, s0;
	_ =	strace $0x80000047;
	s10 =	smul.u32 $0x19000, s5  }
0xb: {  	s3 =	sadd.s32 $0x64800, s0;
	s13 =	sshrl.u32 s8, $0x1;
	s5 =	smul.u32 $0xC8000, s5  }
0xc: {  	s24 =	sadd.s32 s18, s4;
	s0 =	ssub.s32 s8, s13;
	s1 =	sadd.s32 s1, s25  }
0xd: {  	s25 =	simm.s32 $0x800;
	s9 =	sadd.s32 s7, s9;
	s14 =	sshrl.u32 s6, $0x3  }
0xe: {  	s6 =	sadd.s32 s4, s10;
	s5 =	sshrl.u32 s5, $0x3;
	s0 =	smax.u32 s0, $0x1  }
0xf: {  	s8 =	sadd.s32 s7, s14;
	[dreg:$0x2] =	wrdreg s9;
	s9 =	sadd.s32 $0x80, s9  }
0x10: {  	s16 =	sadd.s32 $0x800, s6;
	[dreg:$0x7] =	wrdreg s0;
	s19 =	sadd.s32 s4, s5  }
0x11: {  	s12 =	sadd.s32 $0x18800, s6;
	s5 =	sadd.s32 s20, s24;
	s0 =	sadd.s32 s23, s22  }
0x12: {  	s22 =	simm.s32 $0x400;
	s23 =	simm.s32 $0x5;
	[dreg:$0x3] =	wrdreg s9  }
0x13: {  	s24 =	simm.s32 $0x200;
	s15 =	sadd.s32 $0x100, s8;
	[dreg:$0x5] =	wrdreg s16  }
0x14: {  	s17 =	sadd.s32 $0x180, s8;
	s21 =	sadd.s32 $0x18000, s19;
	s13 =	sadd.s32 $0x1880, s8  }
0x15: {  	[dreg:$0x9] =	wrdreg s12;
	s16 =	sadd.s32 $0x1800, s8;
	s18 =	sadd.s32 $0x1800, s5  }
0x16: {  	s26 =	sadd.s32 $0x1000, s0;
	s0 =	sadd.s32 $0x1400, s0;
	[dreg:$0x4] =	wrdreg s15  }
0x17: {  	s8 =	simm.s32 $0x4;
	s9 =	simm.s32 $0x0;
	[dreg:$0x6] =	wrdreg s17  }
0x18: {  	[dreg:$0x8] =	wrdreg s21;
	s15 =	sadd.s32 $0x17000, s19;
	s17 =	sadd.s32 $0x17800, s6  }
0x19: {  	s5 =	sshrl.u32 s26, $0x3;
	s19 =	sadd.s32 $0x8000, s1;
	s0 =	sshrl.u32 s0, $0x3  }
0x1a: {  	s26 =	simm.s32 $0x2800;
	s1 =	simm.s32 $0x2;
	s20 =	sadd.s32 s5, s7  }
0x1b: {  	s21 =	sadd.s32 s0, s7;
	s0 =	simm.s32 $0x1;
	s7 =	simm.s32 $0x3  }
.LBB2_1:
0x1c: {  	s5 =	rddreg [dreg:$0x2]  }
0x1d: {  	[tilespmem:s2], [sflag:$0x5] =	stream.linear.gather [hbm4b:s5+s2], $0x400, $0x38;
	[tilespmem:$0x8800] =	vst v63  }
0x1e: {  	s12 =	rddreg [dreg:$0x3]  }
0x1f: {  	[tilespmem:s22], [sflag:$0x6] =	stream.linear.gather [hbm4b:s12+s2], $0x400, $0x38;
	[tilespmem:$0x8800] =	vst v63  }
0x20: {  	_ =	swait.ge [sflag:s23], $0x400  }
0x21: {  	[sflag:s23] =	ssyncset.done $0x0  }
0x22: {  	[sflag:s23] =	ssyncadd.s32 $0xFFFFFC00  }
0x23: {  	[tilespmem:s25], [sflag:$0x1] =	stream.indirect.gather [hbm4b:s3+s24], $0x10, s2, s24, $0xb8;
	[tilespmem:$0x8800] =	vst v63  }
0x24: {  	_ = 	snop  }
0x25: {  	[tilespmem:s26], [sflag:$0x1] =	stream.indirect.gather [hbm4b:s3+s24], $0x10, s24, s24, $0xb8;
	[tilespmem:$0x8800] =	vst v63  }
0x26: {  	_ =	swait.ge [sflag:s28], $0x400  }
0x27: {  	[sflag:s28] =	ssyncset.done $0x0  }
0x28: {  	[sflag:s28] =	ssyncadd.s32 $0xFFFFFC00  }
0x29: {  	[tilespmem:s29], [sflag:$0x2] =	stream.indirect.gather [hbm4b:s3+s24], $0x10, s22, s24, $0xb8;
	[tilespmem:$0x8800] =	vst v63  }
0x2a: {  	_ = 	snop  }
0x2b: {  	[tilespmem:s31], [sflag:$0x2] =	stream.indirect.gather [hbm4b:s3+s24], $0x10, s30, s24, $0xb8;
	[tilespmem:$0x8800] =	vst v63  }
0x2c: {  	_ =	swait.ge [sflag:s0], $0x4000  }
0x2d: {  	[sflag:s0] =	ssyncset.done $0x0  }
0x2e: {  	[sflag:s0] =	ssyncadd.s32 $0xFFFFC000  }
0x2f: {  	[hbm4b:s6+s2] =	stream.linear.scatter [tilespmem:s25], [sflag:$0x3], $0x4000, $0x38;
	[tilespmem:$0x8800] =	vst v63  }
0x30: {  	s14 =	rddreg [dreg:$0x4]  }
0x31: {  	[tilespmem:s2], [sflag:$0x5] =	stream.linear.gather [hbm4b:s14+s2], $0x400, $0x38;
	[tilespmem:$0x8800] =	vst v63  }
0x32: {  	_ =	swait.ge [sflag:s1], $0x4000  }
0x33: {  	[sflag:s1] =	ssyncset.done $0x0  }
0x34: {  	s10 =	rddreg [dreg:$0x5];
	[sflag:s1] =	ssyncadd.s32 $0xFFFFC000  }
0x35: {  	[hbm4b:s10+s2] =	stream.linear.scatter [tilespmem:s29], [sflag:$0x4], $0x4000, $0x38;
	[tilespmem:$0x8800] =	vst v63  }
0x36: {  	s11 =	rddreg [dreg:$0x6]  }
0x37: {  	[tilespmem:s22], [sflag:$0x6] =	stream.linear.gather [hbm4b:s11+s2], $0x400, $0x38;
	[tilespmem:$0x8800] =	vst v63  }
0x38: {  	_ =	swait.ge [sflag:s7], $0x4000  }
0x39: {  	[sflag:s7] =	ssyncset.done $0x0  }
0x3a: {  	[sflag:s7] =	ssyncadd.s32 $0xFFFFC000  }
0x3b: {  	_ =	swait.ge [sflag:s23], $0x400  }
0x3c: {  	[sflag:s23] =	ssyncset.done $0x0  }
0x3d: {  	[sflag:s23] =	ssyncadd.s32 $0xFFFFFC00  }
0x3e: {  	[tilespmem:s25], [sflag:$0x1] =	stream.indirect.gather [hbm4b:s3+s24], $0x10, s2, s24, $0xb8;
	[tilespmem:$0x8800] =	vst v63  }
0x3f: {  	_ = 	snop  }
0x40: {  	[tilespmem:s26], [sflag:$0x1] =	stream.indirect.gather [hbm4b:s3+s24], $0x10, s24, s24, $0xb8;
	[tilespmem:$0x8800] =	vst v63  }
0x41: {  	_ =	swait.ge [sflag:s8], $0x4000  }
0x42: {  	[sflag:s8] =	ssyncset.done $0x0  }
0x43: {  	[sflag:s8] =	ssyncadd.s32 $0xFFFFC000  }
0x44: {  	_ =	swait.ge [sflag:s28], $0x400  }
0x45: {  	[sflag:s28] =	ssyncset.done $0x0  }
0x46: {  	[sflag:s28] =	ssyncadd.s32 $0xFFFFFC00  }
0x47: {  	[tilespmem:s29], [sflag:$0x2] =	stream.indirect.gather [hbm4b:s3+s24], $0x10, s22, s24, $0xb8;
	[tilespmem:$0x8800] =	vst v63  }
0x48: {  	_ = 	snop  }
0x49: {  	[tilespmem:s31], [sflag:$0x2] =	stream.indirect.gather [hbm4b:s3+s24], $0x10, s30, s24, $0xb8;
	[tilespmem:$0x8800] =	vst v63  }
0x4a: {  	_ =	swait.ge [sflag:s0], $0x4000  }
0x4b: {  	s12 =	sshrl.u32 s19, $0x3;
	[sflag:s0] =	ssyncset.done $0x0  }
0x4c: {  	s5 =	sadd.s32 s4, s12;
	[sflag:s0] =	ssyncadd.s32 $0xFFFFC000  }
0x4d: {  	[hbm4b:s5+s2] =	stream.linear.scatter [tilespmem:s25], [sflag:$0x3], $0x4000, $0x38;
	[tilespmem:$0x8800] =	vst v63  }
0x4e: {  	s14 =	sadd.s32 $0x0, s20  }
0x4f: {  	[tilespmem:s2], [sflag:$0x5] =	stream.linear.gather [hbm4b:s14+s2], $0x400, $0x38;
	[tilespmem:$0x8800] =	vst v63  }
0x50: {  	_ =	swait.ge [sflag:s1], $0x4000  }
0x51: {  	s12 =	sadd.s32 $0x0, s21;
	s10 =	sadd.s32 $0x1000, s18;
	[sflag:s1] =	ssyncset.done $0x0  }
0x52: {  	s11 =	sadd.s32 $0x8000, s19;
	s5 =	simm.s32 $0x100;
	[sflag:s1] =	ssyncadd.s32 $0xFFFFC000  }
0x53: {  	[hbm4b:s18+s2] =	stream.linear.scatter [tilespmem:s29], [sflag:$0x4], $0x4000, $0x38;
	[tilespmem:$0x8800] =	vst v63  }
.LBB2_2:
0x54: {  	[tilespmem:s22], [sflag:$0x6] =	stream.linear.gather [hbm4b:s12+s2], $0x400, $0x38;
	[tilespmem:$0x8800] =	vst v63  }
0x55: {  	s12 =	smov.u32 s5  }
0x56: {  	p0 =	sne.s32 s5, $0x1500;
	s5 =	sadd.s32 $0x100, s5;
	_ =	swait.ge [sflag:s7], $0x4000  }
0x57: {  	[sflag:s7] =	ssyncset.done $0x0  }
0x58: {  	[sflag:s7] =	ssyncadd.s32 $0xFFFFC000  }
0x59: {  	_ =	swait.ge [sflag:s23], $0x400  }
0x5a: {  	[sflag:s23] =	ssyncset.done $0x0  }
0x5b: {  	[sflag:s23] =	ssyncadd.s32 $0xFFFFFC00  }
0x5c: {  	[tilespmem:s25], [sflag:$0x1] =	stream.indirect.gather [hbm4b:s3+s24], $0x10, s2, s24, $0xb8;
	[tilespmem:$0x8800] =	vst v63  }
0x5d: {  	_ = 	snop  }
0x5e: {  	[tilespmem:s26], [sflag:$0x1] =	stream.indirect.gather [hbm4b:s3+s24], $0x10, s24, s24, $0xb8;
	[tilespmem:$0x8800] =	vst v63  }
0x5f: {  	_ =	swait.ge [sflag:s8], $0x4000  }
0x60: {  	[sflag:s8] =	ssyncset.done $0x0  }
0x61: {  	[sflag:s8] =	ssyncadd.s32 $0xFFFFC000  }
0x62: {  	_ =	swait.ge [sflag:s28], $0x400  }
0x63: {  	[sflag:s28] =	ssyncset.done $0x0  }
0x64: {  	[sflag:s28] =	ssyncadd.s32 $0xFFFFFC00  }
0x65: {  	[tilespmem:s29], [sflag:$0x2] =	stream.indirect.gather [hbm4b:s3+s24], $0x10, s22, s24, $0xb8;
	[tilespmem:$0x8800] =	vst v63  }
0x66: {  	_ = 	snop  }
0x67: {  	[tilespmem:s31], [sflag:$0x2] =	stream.indirect.gather [hbm4b:s3+s24], $0x10, s30, s24, $0xb8;
	[tilespmem:$0x8800] =	vst v63  }
0x68: {  	_ =	swait.ge [sflag:s0], $0x4000  }
0x69: {  	s14 =	sshrl.u32 s11, $0x3;
	[sflag:s0] =	ssyncset.done $0x0  }
0x6a: {  	s14 =	sadd.s32 s4, s14;
	[sflag:s0] =	ssyncadd.s32 $0xFFFFC000  }
0x6b: {  	[hbm4b:s14+s2] =	stream.linear.scatter [tilespmem:s25], [sflag:$0x3], $0x4000, $0x38;
	[tilespmem:$0x8800] =	vst v63  }
0x6c: {  	s14 =	sadd.s32 s12, s20  }
0x6d: {  	[tilespmem:s2], [sflag:$0x5] =	stream.linear.gather [hbm4b:s14+s2], $0x400, $0x38;
	[tilespmem:$0x8800] =	vst v63  }
.Ltmp0:
0x6e: {  	_ =	swait.ge [sflag:s1], $0x4000;
	(pc) =	sbr.rel @p0 .LBB2_2-.Ltmp0, $4  }
0x6f: {  	[sflag:s1] =	ssyncset.done $0x0  }
0x70: {  	[sflag:s1] =	ssyncadd.s32 $0xFFFFC000  }
0x71: {  	[hbm4b:s10+s2] =	stream.linear.scatter [tilespmem:s29], [sflag:$0x4], $0x4000, $0x38;
	[tilespmem:$0x8800] =	vst v63  }
0x72: {  	s11 =	sadd.s32 $0x8000, s11;
	s12 =	sadd.s32 s12, s21;
	s10 =	sadd.s32 $0x1000, s10  }
0x73: {  	[tilespmem:s22], [sflag:$0x6] =	stream.linear.gather [hbm4b:s12+s2], $0x400, $0x38;
	[tilespmem:$0x8800] =	vst v63  }
0x74: {  	_ =	swait.ge [sflag:s7], $0x4000  }
0x75: {  	[sflag:s7] =	ssyncset.done $0x0  }
0x76: {  	[sflag:s7] =	ssyncadd.s32 $0xFFFFC000  }
0x77: {  	_ =	swait.ge [sflag:s23], $0x400  }
0x78: {  	[sflag:s23] =	ssyncset.done $0x0  }
0x79: {  	[sflag:s23] =	ssyncadd.s32 $0xFFFFFC00  }
0x7a: {  	[tilespmem:s25], [sflag:$0x1] =	stream.indirect.gather [hbm4b:s3+s24], $0x10, s2, s24, $0xb8;
	[tilespmem:$0x8800] =	vst v63  }
0x7b: {  	_ = 	snop  }
0x7c: {  	[tilespmem:s26], [sflag:$0x1] =	stream.indirect.gather [hbm4b:s3+s24], $0x10, s24, s24, $0xb8;
	[tilespmem:$0x8800] =	vst v63  }
0x7d: {  	_ =	swait.ge [sflag:s8], $0x4000  }
0x7e: {  	[sflag:s8] =	ssyncset.done $0x0  }
0x7f: {  	[sflag:s8] =	ssyncadd.s32 $0xFFFFC000  }
0x80: {  	_ =	swait.ge [sflag:s28], $0x400  }
0x81: {  	[sflag:s28] =	ssyncset.done $0x0  }
0x82: {  	[sflag:s28] =	ssyncadd.s32 $0xFFFFFC00  }
0x83: {  	[tilespmem:s29], [sflag:$0x2] =	stream.indirect.gather [hbm4b:s3+s24], $0x10, s22, s24, $0xb8;
	[tilespmem:$0x8800] =	vst v63  }
0x84: {  	_ = 	snop  }
0x85: {  	[tilespmem:s31], [sflag:$0x2] =	stream.indirect.gather [hbm4b:s3+s24], $0x10, s30, s24, $0xb8;
	[tilespmem:$0x8800] =	vst v63  }
0x86: {  	_ =	swait.ge [sflag:s0], $0x4000  }
0x87: {  	[sflag:s0] =	ssyncset.done $0x0  }
0x88: {  	[sflag:s0] =	ssyncadd.s32 $0xFFFFC000  }
0x89: {  	[hbm4b:s15+s2] =	stream.linear.scatter [tilespmem:s25], [sflag:$0x3], $0x4000, $0x38;
	[tilespmem:$0x8800] =	vst v63  }
0x8a: {  	_ = 	snop  }
0x8b: {  	[tilespmem:s2], [sflag:$0x5] =	stream.linear.gather [hbm4b:s16+s2], $0x400, $0x38;
	[tilespmem:$0x8800] =	vst v63  }
0x8c: {  	_ =	swait.ge [sflag:s1], $0x4000  }
0x8d: {  	[sflag:s1] =	ssyncset.done $0x0  }
0x8e: {  	[sflag:s1] =	ssyncadd.s32 $0xFFFFC000  }
0x8f: {  	[hbm4b:s17+s2] =	stream.linear.scatter [tilespmem:s29], [sflag:$0x4], $0x4000, $0x38;
	[tilespmem:$0x8800] =	vst v63  }
0x90: {  	_ = 	snop  }
0x91: {  	[tilespmem:s22], [sflag:$0x6] =	stream.linear.gather [hbm4b:s13+s2], $0x400, $0x38;
	[tilespmem:$0x8800] =	vst v63  }
0x92: {  	_ =	swait.ge [sflag:s7], $0x4000  }
0x93: {  	[sflag:s7] =	ssyncset.done $0x0  }
0x94: {  	[sflag:s7] =	ssyncadd.s32 $0xFFFFC000  }
0x95: {  	_ =	swait.ge [sflag:s23], $0x400  }
0x96: {  	[sflag:s23] =	ssyncset.done $0x0  }
0x97: {  	[sflag:s23] =	ssyncadd.s32 $0xFFFFFC00  }
0x98: {  	[tilespmem:s25], [sflag:$0x1] =	stream.indirect.gather [hbm4b:s3+s24], $0x10, s2, s24, $0xb8;
	[tilespmem:$0x8800] =	vst v63  }
0x99: {  	_ = 	snop  }
0x9a: {  	[tilespmem:s26], [sflag:$0x1] =	stream.indirect.gather [hbm4b:s3+s24], $0x10, s24, s24, $0xb8;
	[tilespmem:$0x8800] =	vst v63  }
0x9b: {  	_ =	swait.ge [sflag:s8], $0x4000  }
0x9c: {  	[sflag:s8] =	ssyncset.done $0x0  }
0x9d: {  	[sflag:s8] =	ssyncadd.s32 $0xFFFFC000  }
0x9e: {  	_ =	swait.ge [sflag:s28], $0x400  }
0x9f: {  	[sflag:s28] =	ssyncset.done $0x0  }
0xa0: {  	[sflag:s28] =	ssyncadd.s32 $0xFFFFFC00  }
0xa1: {  	[tilespmem:s29], [sflag:$0x2] =	stream.indirect.gather [hbm4b:s3+s24], $0x10, s22, s24, $0xb8;
	[tilespmem:$0x8800] =	vst v63  }
0xa2: {  	_ = 	snop  }
0xa3: {  	[tilespmem:s31], [sflag:$0x2] =	stream.indirect.gather [hbm4b:s3+s24], $0x10, s30, s24, $0xb8;
	[tilespmem:$0x8800] =	vst v63  }
0xa4: {  	_ =	swait.ge [sflag:s0], $0x4000  }
0xa5: {  	[sflag:s0] =	ssyncset.done $0x0  }
0xa6: {  	s5 =	rddreg [dreg:$0x8];
	[sflag:s0] =	ssyncadd.s32 $0xFFFFC000  }
0xa7: {  	[hbm4b:s5+s2] =	stream.linear.scatter [tilespmem:s25], [sflag:$0x3], $0x4000, $0x38;
	[tilespmem:$0x8800] =	vst v63  }
0xa8: {  	_ = 	snop  }
0xa9: {  	[tilespmem:s2], [sflag:$0x5] =	stream.linear.gather [hbm4b:s13+s2], $0x400, $0x38;
	[tilespmem:$0x8800] =	vst v63  }
0xaa: {  	_ =	swait.ge [sflag:s1], $0x4000  }
0xab: {  	[sflag:s1] =	ssyncset.done $0x0  }
0xac: {  	s12 =	rddreg [dreg:$0x9];
	[sflag:s1] =	ssyncadd.s32 $0xFFFFC000  }
0xad: {  	[hbm4b:s12+s2] =	stream.linear.scatter [tilespmem:s29], [sflag:$0x4], $0x4000, $0x38;
	[tilespmem:$0x8800] =	vst v63  }
0xae: {  	_ = 	snop  }
0xaf: {  	[tilespmem:s22], [sflag:$0x6] =	stream.linear.gather [hbm4b:s13+s2], $0x400, $0x38;
	[tilespmem:$0x8800] =	vst v63  }
0xb0: {  	_ =	swait.ge [sflag:s7], $0x4000  }
0xb1: {  	[sflag:s7] =	ssyncset.done $0x0  }
0xb2: {  	[sflag:s7] =	ssyncadd.s32 $0xFFFFC000  }
0xb3: {  	_ =	swait.ge [sflag:s23], $0x400  }
0xb4: {  	[sflag:s23] =	ssyncset.done $0x0  }
0xb5: {  	[sflag:s23] =	ssyncadd.s32 $0xFFFFFC00  }
0xb6: {  	_ =	swait.ge [sflag:s8], $0x4000  }
0xb7: {  	[sflag:s8] =	ssyncset.done $0x0  }
0xb8: {  	[sflag:s8] =	ssyncadd.s32 $0xFFFFC000  }
0xb9: {  	_ =	swait.ge [sflag:s28], $0x400  }
0xba: {  	s9 =	sadd.s32 $0x1, s9;
	s14 =	rddreg [dreg:$0x7]  }
0xbb: {  	p0 =	sne.s32 s9, s14  }
.Ltmp1:
0xbc: {  	_ = 	snop;
	(pc) =	sbr.rel @p0 .LBB2_1-.Ltmp1, $3  }
0xbd: {  	_ =	sdelay $0x1  }
0xbe: {  	[sflag:s28] =	ssyncset.done $0x0  }
0xbf: {  	[sflag:s28] =	ssyncadd.s32 $0xFFFFFC00  }
0xc0: {  	_ =	sfence.sel $0x180000  }
0xc1: {  	[bflag:$0x0] =	sbarrier.arrive $0xFFFF  }
0xc2: {  	_ =	strace $0x90000047  }
0xc3: {  	s0 =	stileid.u32;
	[bflag:$0x2] =	sbarrier.arrive $0xFFFF  }
0xc4: {  	p0 =	sne.s32 s0, $0x0;
	s0 =	rddreg [dreg:$0x1]  }
0xc5: {  	s0 =	sadd.s32 @!p0 $0x100000, s0  }
0xc6: {  	[sflag:s0] =	ssyncadd.tile.s32 @!p0 $0x1;
	_ =	shalt  }
.Lfunc_end2:
_tile_overlayer_lowered:
.L_overlay_start_2:
0xc7: {  	(tag) =	ssettag $0x2  }
0xc8: {  	s0 =	rddreg [dreg:$0x0];
	s2 =	stileid.u32  }
0xc9: {  	s1 =	rddreg [dreg:$0x1];
	p0 =	sne.s32 s2, $0x0  }
0xca: {  	s3 =	rddreg [dreg:$0x2];
	[bflag:$0x3] =	sbarrier.arrive $0xFFFF;
	s2 =	simm.s32 @!p0 $0x1C07  }
0xcb: {  	[timem:s3], [sflag:s2] =	dma.local @!p0 [hbm:s0], s1  }
0xcc: {  	s0 =	simm.s32 @!p0 $0x7  }
0xcd: {  	_ =	swait.ge @!p0 [sflag:s0], s1  }
0xce: {  	s1 =	ssub.s32 @!p0 $0x0, s1;
	[sflag:s0] =	ssyncset.done @!p0 $0x0  }
0xcf: {  	[sflag:s0] =	ssyncadd.s32 @!p0 s1  }
0xd0: {  	[bflag:$0x3] =	sbarrier.arrive $0xFFFF  }
0xd1: {  	_ =	shalt  }

</sc_bundles>
